<compile_context>
chip_gen: v7x
topology: tpu7x:2x2x1
jax: 0.10.2.dev20260603
libtpu: 0.0.44.dev20260713+nightly
codegen_flags: <defaults>
</compile_context>

<pallas_src>
import functools

import jax
import jax.numpy as jnp
from jax import lax
from jax.experimental import pallas as pl
from jax.experimental.pallas import tpu as pltpu
from jax.experimental.pallas import tpu_sc as plsc

_TEMP = 0.07
_NUM_ANCHOR = 1024
_CP = 32
_CH = 256


def _sc_segsum_body(feats_hbm, labels_hbm, mem_hbm, qptr_hbm, zeros_hbm,
                    zeros16_hbm, ones_hbm, sums_hbm, cnts_hbm, old_hbm,
                    fb0, fb1, lb0a, lb0b, lb1a, lb1b, onesb, accs, accc,
                    qv, idxv, oldv, sf0, sf1, sl0a, sl0b, sl1a, sl1b, sg,
                    ss0, ss1, *, NW, rows_per_w, C, M, D):
    cid = lax.axis_index("c")
    sid = lax.axis_index("s")
    wid = cid * (NW // 2) + sid
    base = wid * rows_per_w
    nch = rows_per_w // _CH

    @pl.when(sid == 0)
    def _():
        pltpu.sync_copy(zeros_hbm, accs)
        pltpu.sync_copy(zeros16_hbm, accc)
    pltpu.sync_copy(ones_hbm, onesb)

    @pl.when(jnp.logical_and(cid == 0, sid == 0))
    def _():
        pltpu.sync_copy(qptr_hbm, qv)
        i16 = lax.iota(jnp.int32, 16)
        for h in range(2):
            q = qv[pl.ds(h * 16, 16)] % M
            idx = (i16 + h * 16) * M + q
            idxv[pl.ds(h * 16, 16)] = jnp.minimum(idx, C * M - 1)
        pltpu.async_copy(mem_hbm.at[idxv], oldv, sg).wait()
        pltpu.sync_copy(oldv, old_hbm)
    plsc.subcore_barrier()

    fbs = [fb0, fb1]
    lbs = [[lb0a, lb0b], [lb1a, lb1b]]
    sfs = [sf0, sf1]
    sls = [[sl0a, sl0b], [sl1a, sl1b]]
    ss = [ss0, ss1]

    def issue(i):
        b = i % 2
        start = base + i * _CH
        hs = [pltpu.async_copy(feats_hbm.at[pl.ds(start, _CH)], fbs[b],
                               sfs[b])]
        for j in range(_CH // 128):
            hs.append(pltpu.async_copy(
                labels_hbm.at[pl.ds(start + j * 128, 128)], lbs[b][j],
                sls[b][j]))
        return hs

    handles = {0: issue(0)}
    scat = {}
    for i in range(nch):
        b = i % 2
        for h in handles.pop(i):
            h.wait()
        hs = []
        for j in range(_CH // 128):
            hs.append(pltpu.async_copy(fbs[b].at[pl.ds(j * 128, 128)],
                                       accs.at[lbs[b][j]], ss[b],
                                       add=True))
            hs.append(pltpu.async_copy(onesb, accc.at[lbs[b][j]], ss[b],
                                       add=True))
        scat[i] = hs
        if i + 1 < nch:
            if i - 1 in scat:
                for h in scat.pop(i - 1):
                    h.wait()
            handles[i + 1] = issue(i + 1)
    for k in sorted(scat):
        for h in scat.pop(k):
            h.wait()

    plsc.subcore_barrier()

    @pl.when(sid == 0)
    def _():
        pltpu.sync_copy(accs, sums_hbm.at[cid])
        pltpu.sync_copy(accc, cnts_hbm.at[cid])


def _sc_segsum(ff, fl, mem2, qptr_pad, C, M, D):
    info = plsc.get_sparse_core_info()
    NW = info.num_cores * info.num_subcores
    N = ff.shape[0]
    rows_per_w = N // NW
    zeros = jnp.zeros((_CP, D), jnp.float32)
    zeros16 = jnp.zeros((_CP, 16), jnp.float32)
    ones = jnp.ones((128, 16), jnp.float32)
    mesh = plsc.VectorSubcoreMesh(core_axis_name="c", subcore_axis_name="s")
    body = functools.partial(_sc_segsum_body, NW=NW, rows_per_w=rows_per_w,
                             C=C, M=M, D=D)
    f = pl.kernel(
        body,
        mesh=mesh,
        out_type=[
            jax.ShapeDtypeStruct((2, _CP, D), jnp.float32),
            jax.ShapeDtypeStruct((2, _CP, 16), jnp.float32),
            jax.ShapeDtypeStruct((_CP, D), jnp.float32),
        ],
        scratch_types=[
            pltpu.VMEM((_CH, D), jnp.float32),
            pltpu.VMEM((_CH, D), jnp.float32),
            pltpu.VMEM((128,), jnp.int32),
            pltpu.VMEM((128,), jnp.int32),
            pltpu.VMEM((128,), jnp.int32),
            pltpu.VMEM((128,), jnp.int32),
            pltpu.VMEM((128, 16), jnp.float32),
            pltpu.VMEM_SHARED((_CP, D), jnp.float32),
            pltpu.VMEM_SHARED((_CP, 16), jnp.float32),
            pltpu.VMEM((_CP,), jnp.int32),
            pltpu.VMEM((_CP,), jnp.int32),
            pltpu.VMEM((_CP, D), jnp.float32),
            pltpu.SemaphoreType.DMA,
            pltpu.SemaphoreType.DMA,
            pltpu.SemaphoreType.DMA,
            pltpu.SemaphoreType.DMA,
            pltpu.SemaphoreType.DMA,
            pltpu.SemaphoreType.DMA,
            pltpu.SemaphoreType.DMA,
            pltpu.SemaphoreType.DMA,
            pltpu.SemaphoreType.DMA,
        ],
    )
    return f(ff, fl, mem2, qptr_pad, zeros, zeros16, ones)


def _norm_anchors(anc):
    anrm = jnp.sqrt(jnp.sum(anc * anc, axis=1, keepdims=True))
    return (anc / ((anrm + 1e-12) * _TEMP)).astype(jnp.bfloat16)


def _bank_body(mem_ref, anc_ref, alb_ref, s_o, cls_o, ancn_s, *, C, M, D):
    A = alb_ref.shape[0]
    c = pl.program_id(0)

    @pl.when(c == 0)
    def _():
        anc = anc_ref[:, 0, :]
        ancn_s[...] = _norm_anchors(anc)
        s_o[...] = jnp.zeros(s_o.shape, jnp.float32)
        cls_o[...] = jnp.zeros(cls_o.shape, jnp.float32)

    tile = mem_ref[...]
    ones_d = jnp.ones((D, 1), jnp.float32)
    nrm2 = jax.lax.dot_general(
        tile * tile, ones_d, (((1,), (0,)), ((), ())),
        preferred_element_type=jnp.float32)
    tn = (tile * (1.0 / (jnp.sqrt(nrm2) + 1e-12))).astype(jnp.bfloat16)

    ancn = ancn_s[...]
    logits = jax.lax.dot_general(
        ancn, tn, (((1,), (1,)), ((), ())),
        preferred_element_type=jnp.float32)

    p = jnp.exp(logits)
    s_o[...] += jnp.sum(p, axis=1, keepdims=True)

    colsum = jnp.sum(tn.astype(jnp.float32), axis=0, keepdims=True)
    rowsum = jnp.sum(ancn.astype(jnp.float32) * colsum, axis=1,
                     keepdims=True)
    own = (alb_ref[:, 0:1] == c).astype(jnp.float32)
    cls_o[...] += own * rowsum


def _fix_body(anc_ref, alb_ref, sums_ref, counts_ref, old_ref, s_ref,
              cls_ref, loss_ref, *, C, M, D):
    sums = sums_ref[0:_CP, :] + sums_ref[_CP:2 * _CP, :]
    counts = counts_ref[0:_CP, 0:1] + counts_ref[_CP:2 * _CP, 0:1]
    counts = jnp.maximum(counts, 1.0)
    means = sums / counts
    mnrm = jnp.sqrt(jnp.sum(means * means, axis=1, keepdims=True))
    meansn = (means / (mnrm + 1e-12)).astype(jnp.bfloat16)

    old = old_ref[...]
    onrm2 = jnp.sum(old * old, axis=1, keepdims=True)
    oldn = (old * (1.0 / (jnp.sqrt(onrm2) + 1e-12))).astype(jnp.bfloat16)

    ancn = _norm_anchors(anc_ref[:, 0, :])
    l_new = jax.lax.dot_general(
        ancn, meansn, (((1,), (1,)), ((), ())),
        preferred_element_type=jnp.float32)
    l_old = jax.lax.dot_general(
        ancn, oldn, (((1,), (1,)), ((), ())),
        preferred_element_type=jnp.float32)

    cids = jax.lax.broadcasted_iota(jnp.int32, (1, _CP), 1)
    cmask = (cids < C).astype(jnp.float32)
    s = s_ref[...] + jnp.sum(cmask * (jnp.exp(l_new) - jnp.exp(l_old)),
                             axis=1, keepdims=True)
    own = (alb_ref[:, 0:1] == cids).astype(jnp.float32)
    cls = cls_ref[...] + jnp.sum(own * (l_new - l_old), axis=1,
                                 keepdims=True)

    lv = jnp.log(s + 1e-12) - cls * (1.0 / M)
    loss_ref[...] = jnp.mean(lv)[None, None]


def _run(feats, labels, memory, queue_ptr, interpret=False):
    B, H, W, D = feats.shape
    C, M, _ = memory.shape
    N = B * H * W
    ff = feats.reshape(N, D)
    fl = labels.reshape(N)

    mem2 = memory.reshape(C * M, D)
    qptr_pad = jnp.pad(queue_ptr, (0, _CP - C))
    sums2, cnts2, oldrows = _sc_segsum(ff, fl, mem2, qptr_pad, C, M, D)
    sums2 = sums2.reshape(2 * _CP, D)
    cnts2 = cnts2.reshape(2 * _CP, 16)

    A = _NUM_ANCHOR
    stride = max(N // A, 1)
    anchors3 = ff.reshape(A, stride, D)
    labels2 = fl.reshape(A, stride)

    bank = functools.partial(_bank_body, C=C, M=M, D=D)
    s_acc, cls_acc = pl.pallas_call(
        bank,
        grid=(C,),
        in_specs=[
            pl.BlockSpec((M, D), lambda c: (c, 0)),
            pl.BlockSpec((A, 8, D), lambda c: (0, 0, 0)),
            pl.BlockSpec((A, stride), lambda c: (0, 0)),
        ],
        out_specs=[
            pl.BlockSpec((A, 1), lambda c: (0, 0)),
            pl.BlockSpec((A, 1), lambda c: (0, 0)),
        ],
        out_shape=[
            jax.ShapeDtypeStruct((A, 1), jnp.float32),
            jax.ShapeDtypeStruct((A, 1), jnp.float32),
        ],
        scratch_shapes=[
            pltpu.VMEM((A, D), jnp.bfloat16),
        ],
        interpret=interpret,
    )(mem2, anchors3, labels2)

    fix = functools.partial(_fix_body, C=C, M=M, D=D)
    loss = pl.pallas_call(
        fix,
        grid=(1,),
        in_specs=[
            pl.BlockSpec((A, 8, D), lambda i: (0, 0, 0)),
            pl.BlockSpec((A, stride), lambda i: (0, 0)),
            pl.BlockSpec((2 * _CP, D), lambda i: (0, 0)),
            pl.BlockSpec((2 * _CP, 16), lambda i: (0, 0)),
            pl.BlockSpec((_CP, D), lambda i: (0, 0)),
            pl.BlockSpec((A, 1), lambda i: (0, 0)),
            pl.BlockSpec((A, 1), lambda i: (0, 0)),
        ],
        out_specs=pl.BlockSpec((1, 1), lambda i: (0, 0)),
        out_shape=jax.ShapeDtypeStruct((1, 1), jnp.float32),
        interpret=interpret,
    )(anchors3, labels2, sums2, cnts2, oldrows, s_acc, cls_acc)
    return loss[0, 0]


def kernel(feats, labels, memory, queue_ptr):
    return _run(feats, labels, memory, queue_ptr)

# --- scband reference (transcript-rebuilt; emitter-appended) ---
"""Pipeline reference for scband-moco-contrast-loss-48704929137379 (READ-ONLY COPY).

The authoritative reference and input builder live on the scoring server;
editing this copy changes nothing except your own understanding.
"""

import jax, jax.numpy as jnp
import numpy as np


def setup_inputs(seed: int = 0) -> dict:
    key = jax.random.key(seed)
    k1, k2, k3, k4 = jax.random.split(key, 4)
    feats = jax.random.normal(k1, (4, 128, 128, 128), dtype=jnp.float32)
    labels = jax.random.randint(k2, (4, 128, 128), 0, 19, dtype=jnp.int32)
    memory = jax.random.normal(k3, (19, 2000, 128), dtype=jnp.float32)
    queue_ptr = jax.random.randint(k4, (19,), 0, 2000, dtype=jnp.int32)
    return {"feats": feats, "labels": labels, "memory": memory, "queue_ptr": queue_ptr}


def reference(feats, labels, memory, queue_ptr):
    # MoCo-style pixel contrastive loss with per-class memory bank.
    # 1) per-class mean features computed via segment-sum (scatter-add)
    # 2) normalized means scattered (overwrite) into memory queue at queue_ptr
    # 3) contrastive loss between anchor pixel features and the memory bank
    B, H, W, D = feats.shape
    C, M, _ = memory.shape
    N = B * H * W
    temperature = 0.07
    flat_feats = feats.reshape(N, D)
    flat_labels = labels.reshape(N)
    # scatter-add: per-class feature sums and counts
    sums = jax.ops.segment_sum(flat_feats, flat_labels, num_segments=C)
    counts = jax.ops.segment_sum(jnp.ones((N,), dtype=feats.dtype), flat_labels, num_segments=C)
    means = sums / jnp.maximum(counts, 1.0)[:, None]
    means_n = means / (jnp.linalg.norm(means, axis=1, keepdims=True) + 1e-12)
    # scatter-overwrite into the memory bank at the per-class queue pointer
    mem_updated = memory.at[jnp.arange(C), queue_ptr % M].set(means_n)
    # anchor pixels: deterministic strided subsample (stand-in for randperm K=pixel_update_freq style sampling)
    n_anchor = 1024
    stride = max(N // n_anchor, 1)
    idx = jnp.arange(0, n_anchor) * stride
    anchor = flat_feats[idx]
    anchor_lb = flat_labels[idx]
    anchor_n = anchor / (jnp.linalg.norm(anchor, axis=1, keepdims=True) + 1e-12)
    mem_flat = mem_updated.reshape(C * M, D)
    mem_n = mem_flat / (jnp.linalg.norm(mem_flat, axis=1, keepdims=True) + 1e-12)
    logits = (anchor_n @ mem_n.T) / temperature
    mem_classes = jnp.arange(C * M) // M
    pos_mask = (anchor_lb[:, None] == mem_classes[None, :]).astype(feats.dtype)
    logits_max = jnp.max(logits, axis=1, keepdims=True)
    logits_s = logits - jax.lax.stop_gradient(logits_max)
    exp_l = jnp.exp(logits_s)
    log_prob = logits_s - jnp.log(exp_l.sum(axis=1, keepdims=True) + 1e-12)
    mean_log_pos = (pos_mask * log_prob).sum(axis=1) / jnp.maximum(pos_mask.sum(axis=1), 1.0)
    loss = -mean_log_pos.mean()
    return loss

if __name__ == "__main__":
    import jax
    _d = setup_inputs()
    print(jax.jit(kernel)(*tuple(_d.values())))

</pallas_src>

<mosaic_0001>
#map = affine_map<(d0, d1) -> (0, 0)>
#map1 = affine_map<(d0, d1) -> (0)>
#map2 = affine_map<(d0, d1) -> (0, 0, 0)>
module attributes {stable_mosaic.version = 14 : i64} {
  func.func @_sc_segsum_body(%arg0: i32, %arg1: i32, %arg2: memref<65536x128xf32, #tpu.memory_space<hbm>>, %arg3: memref<65536xi32, #tpu.memory_space<hbm>>, %arg4: memref<38000x128xf32, #tpu.memory_space<hbm>>, %arg5: memref<32xi32, #tpu.memory_space<hbm>>, %arg6: memref<32x128xf32, #tpu.memory_space<hbm>>, %arg7: memref<32x16xf32, #tpu.memory_space<hbm>>, %arg8: memref<128x16xf32, #tpu.memory_space<hbm>>, %arg9: memref<2x32x128xf32, #tpu.memory_space<hbm>>, %arg10: memref<2x32x16xf32, #tpu.memory_space<hbm>>, %arg11: memref<32x128xf32, #tpu.memory_space<hbm>>, %arg12: memref<256x128xf32, #tpu.memory_space<vmem>>, %arg13: memref<256x128xf32, #tpu.memory_space<vmem>>, %arg14: memref<128xi32, #tpu.memory_space<vmem>>, %arg15: memref<128xi32, #tpu.memory_space<vmem>>, %arg16: memref<128xi32, #tpu.memory_space<vmem>>, %arg17: memref<128xi32, #tpu.memory_space<vmem>>, %arg18: memref<128x16xf32, #tpu.memory_space<vmem>>, %arg19: memref<32x128xf32, #tpu.memory_space<vmem_shared>>, %arg20: memref<32x16xf32, #tpu.memory_space<vmem_shared>>, %arg21: memref<32xi32, #tpu.memory_space<vmem>>, %arg22: memref<32xi32, #tpu.memory_space<vmem>>, %arg23: memref<32x128xf32, #tpu.memory_space<vmem>>, %arg24: memref<!tpu.dma_semaphore, #tpu.memory_space<semaphore_mem>>, %arg25: memref<!tpu.dma_semaphore, #tpu.memory_space<semaphore_mem>>, %arg26: memref<!tpu.dma_semaphore, #tpu.memory_space<semaphore_mem>>, %arg27: memref<!tpu.dma_semaphore, #tpu.memory_space<semaphore_mem>>, %arg28: memref<!tpu.dma_semaphore, #tpu.memory_space<semaphore_mem>>, %arg29: memref<!tpu.dma_semaphore, #tpu.memory_space<semaphore_mem>>, %arg30: memref<!tpu.dma_semaphore, #tpu.memory_space<semaphore_mem>>, %arg31: memref<!tpu.dma_semaphore, #tpu.memory_space<semaphore_mem>>, %arg32: memref<!tpu.dma_semaphore, #tpu.memory_space<semaphore_mem>>) attributes {dimension_semantics = [#tpu.dimension_semantics<core_parallel>, #tpu.dimension_semantics<subcore_parallel>], iteration_bounds = array<i64: 2, 16>, scalar_prefetch = 0 : i64, scratch_operands = 21 : i64, tpu.core_type = #tpu.core_type<sc_vector_subcore>, window_params = [{transform_indices = #map}, {transform_indices = #map1}, {transform_indices = #map}, {transform_indices = #map1}, {transform_indices = #map}, {transform_indices = #map}, {transform_indices = #map}, {transform_indices = #map2}, {transform_indices = #map2}, {transform_indices = #map}]} {
    %mul3A = arith.constant 16 : i32
    %mul3A_0 = arith.muli %arg0, %mul3A : i32
    %add3A = arith.addi %mul3A_0, %arg1 : i32
    %mul3A_1 = arith.constant 2048 : i32
    %mul3A_2 = arith.muli %add3A, %mul3A_1 : i32
    %eq3A = arith.constant 0 : i32
    %eq3A_3 = arith.cmpi eq, %arg1, %eq3A : i32
    %convert_element_type3A = arith.extui %eq3A_3 : i1 to i32
    %cond3A = arith.constant 0 : i32
    %cond3A_4 = arith.cmpi ne, %convert_element_type3A, %cond3A : i32
    scf.if %cond3A_4 {
      "tpu.region"() ({
        %run_scoped3A = tpu.sem_alloc : memref<!tpu.dma_semaphore, #tpu.memory_space<semaphore_mem>>
        tpu.enqueue_dma source(%arg6 : memref<32x128xf32, #tpu.memory_space<hbm>>) target(%arg19 : memref<32x128xf32, #tpu.memory_space<vmem_shared>>) target_semaphore(%run_scoped3A : memref<!tpu.dma_semaphore, #tpu.memory_space<semaphore_mem>>)
        tpu.wait_dma2 semaphore(%run_scoped3A : memref<!tpu.dma_semaphore, #tpu.memory_space<semaphore_mem>>) src(%arg6 : memref<32x128xf32, #tpu.memory_space<hbm>>) dst(%arg19 : memref<32x128xf32, #tpu.memory_space<vmem_shared>>)
        tpu.yield
      }) : () -> ()
      "tpu.region"() ({
        %run_scoped3A = tpu.sem_alloc : memref<!tpu.dma_semaphore, #tpu.memory_space<semaphore_mem>>
        tpu.enqueue_dma source(%arg7 : memref<32x16xf32, #tpu.memory_space<hbm>>) target(%arg20 : memref<32x16xf32, #tpu.memory_space<vmem_shared>>) target_semaphore(%run_scoped3A : memref<!tpu.dma_semaphore, #tpu.memory_space<semaphore_mem>>)
        tpu.wait_dma2 semaphore(%run_scoped3A : memref<!tpu.dma_semaphore, #tpu.memory_space<semaphore_mem>>) src(%arg7 : memref<32x16xf32, #tpu.memory_space<hbm>>) dst(%arg20 : memref<32x16xf32, #tpu.memory_space<vmem_shared>>)
        tpu.yield
      }) : () -> ()
    } else {
    }
    "tpu.region"() ({
      %run_scoped3A = tpu.sem_alloc : memref<!tpu.dma_semaphore, #tpu.memory_space<semaphore_mem>>
      tpu.enqueue_dma source(%arg8 : memref<128x16xf32, #tpu.memory_space<hbm>>) target(%arg18 : memref<128x16xf32, #tpu.memory_space<vmem>>) target_semaphore(%run_scoped3A : memref<!tpu.dma_semaphore, #tpu.memory_space<semaphore_mem>>)
      tpu.wait_dma2 semaphore(%run_scoped3A : memref<!tpu.dma_semaphore, #tpu.memory_space<semaphore_mem>>) src(%arg8 : memref<128x16xf32, #tpu.memory_space<hbm>>) dst(%arg18 : memref<128x16xf32, #tpu.memory_space<vmem>>)
      tpu.yield
    }) : () -> ()
    %eq3A_5 = arith.constant 0 : i32
    %eq3A_6 = arith.cmpi eq, %arg0, %eq3A_5 : i32
    %eq3A_7 = arith.constant 0 : i32
    %eq3A_8 = arith.cmpi eq, %arg1, %eq3A_7 : i32
    %and3A = arith.andi %eq3A_6, %eq3A_8 : i1
    %convert_element_type3A_9 = arith.extui %and3A : i1 to i32
    %cond3A_10 = arith.constant 0 : i32
    %cond3A_11 = arith.cmpi ne, %convert_element_type3A_9, %cond3A_10 : i32
    scf.if %cond3A_11 {
      "tpu.region"() ({
        %run_scoped3A = tpu.sem_alloc : memref<!tpu.dma_semaphore, #tpu.memory_space<semaphore_mem>>
        tpu.enqueue_dma source(%arg5 : memref<32xi32, #tpu.memory_space<hbm>>) target(%arg21 : memref<32xi32, #tpu.memory_space<vmem>>) target_semaphore(%run_scoped3A : memref<!tpu.dma_semaphore, #tpu.memory_space<semaphore_mem>>)
        tpu.wait_dma2 semaphore(%run_scoped3A : memref<!tpu.dma_semaphore, #tpu.memory_space<semaphore_mem>>) src(%arg5 : memref<32xi32, #tpu.memory_space<hbm>>) dst(%arg21 : memref<32xi32, #tpu.memory_space<vmem>>)
        tpu.yield
      }) : () -> ()
      %iota3A = tpu.iota {dimensions = array<i32: 0>} : vector<16xi32>
      %get3A = arith.constant 0 : index
      %get3A_480 = tpu.vector_load %arg21[%get3A] {strides = array<i32>} : memref<32xi32, #tpu.memory_space<vmem>>, vector<16xi32>,
      %get3A_481 = vector.shape_cast %get3A_480 : vector<16xi32> to vector<16xi32>
      %jit3A = arith.constant 2000 : i32
      %eq3A_482 = arith.constant 0 : i32
      %eq3A_483 = arith.cmpi eq, %jit3A, %eq3A_482 : i32
      %jit3A_484 = arith.constant 1 : i32
      %select_n3A = arith.select %eq3A_483, %jit3A_484, %jit3A : i32
      %rem3A = vector.broadcast %select_n3A : i32 to vector<16xi32>
      %rem3A_485 = arith.remsi %get3A_481, %rem3A : vector<16xi32>
      %ne3A = arith.constant 0 : i32
      %ne3A_486 = vector.broadcast %ne3A : i32 to vector<16xi32>
      %ne3A_487 = arith.cmpi ne, %rem3A_485, %ne3A_486 : vector<16xi32>
      %lt3A = arith.constant 0 : i32
      %lt3A_488 = vector.broadcast %lt3A : i32 to vector<16xi32>
      %lt3A_489 = arith.cmpi slt, %rem3A_485, %lt3A_488 : vector<16xi32>
      %lt3A_490 = arith.constant 0 : i32
      %lt3A_491 = arith.cmpi slt, %select_n3A, %lt3A_490 : i32
      %ne3A_492 = vector.broadcast %lt3A_491 : i1 to vector<16xi1>
      %ne3A_493 = vector.broadcast %ne3A_492 : vector<16xi1> to vector<16xi1>
      %ne3A_494 = arith.xori %lt3A_489, %ne3A_493 : vector<16xi1>
      %and3A_495 = arith.andi %ne3A_494, %ne3A_487 : vector<16xi1>
      %add3A_496 = vector.broadcast %select_n3A : i32 to vector<16xi32>
      %add3A_497 = arith.addi %rem3A_485, %add3A_496 : vector<16xi32>
      %select_n3A_498 = arith.select %and3A_495, %add3A_497, %rem3A_485 : vector<16xi1>, vector<16xi32>
      %add3A_499 = arith.constant 0 : i32
      %add3A_500 = vector.broadcast %add3A_499 : i32 to vector<16xi32>
      %add3A_501 = arith.addi %iota3A, %add3A_500 : vector<16xi32>
      %mul3A_502 = arith.constant 2000 : i32
      %mul3A_503 = vector.broadcast %mul3A_502 : i32 to vector<16xi32>
      %mul3A_504 = arith.muli %add3A_501, %mul3A_503 : vector<16xi32>
      %add3A_505 = arith.addi %mul3A_504, %select_n3A_498 : vector<16xi32>
      %min3A = arith.constant 37999 : i32
      %min3A_506 = vector.broadcast %min3A : i32 to vector<16xi32>
      %min3A_507 = arith.minsi %add3A_505, %min3A_506 : vector<16xi32>
      %swap3A = arith.constant 0 : index
      %swap3A_508 = tpu.vector_load %arg22[%swap3A] {strides = array<i32>} : memref<32xi32, #tpu.memory_space<vmem>>, vector<16xi32>,
      %swap3A_509 = vector.shape_cast %swap3A_508 : vector<16xi32> to vector<16xi32>
      %swap3A_510 = vector.shape_cast %min3A_507 : vector<16xi32> to vector<16xi32>
      tpu.vector_store %arg22[%swap3A], %swap3A_510 {strides = array<i32>} : memref<32xi32, #tpu.memory_space<vmem>>, vector<16xi32>,
      %get3A_511 = arith.constant 16 : index
      %get3A_512 = tpu.vector_load %arg21[%get3A_511] {strides = array<i32>} : memref<32xi32, #tpu.memory_space<vmem>>, vector<16xi32>,
      %get3A_513 = vector.shape_cast %get3A_512 : vector<16xi32> to vector<16xi32>
      %jit3A_514 = arith.constant 2000 : i32
      %eq3A_515 = arith.constant 0 : i32
      %eq3A_516 = arith.cmpi eq, %jit3A_514, %eq3A_515 : i32
      %jit3A_517 = arith.constant 1 : i32
      %select_n3A_518 = arith.select %eq3A_516, %jit3A_517, %jit3A_514 : i32
      %rem3A_519 = vector.broadcast %select_n3A_518 : i32 to vector<16xi32>
      %rem3A_520 = arith.remsi %get3A_513, %rem3A_519 : vector<16xi32>
      %ne3A_521 = arith.constant 0 : i32
      %ne3A_522 = vector.broadcast %ne3A_521 : i32 to vector<16xi32>
      %ne3A_523 = arith.cmpi ne, %rem3A_520, %ne3A_522 : vector<16xi32>
      %lt3A_524 = arith.constant 0 : i32
      %lt3A_525 = vector.broadcast %lt3A_524 : i32 to vector<16xi32>
      %lt3A_526 = arith.cmpi slt, %rem3A_520, %lt3A_525 : vector<16xi32>
      %lt3A_527 = arith.constant 0 : i32
      %lt3A_528 = arith.cmpi slt, %select_n3A_518, %lt3A_527 : i32
      %ne3A_529 = vector.broadcast %lt3A_528 : i1 to vector<16xi1>
      %ne3A_530 = vector.broadcast %ne3A_529 : vector<16xi1> to vector<16xi1>
      %ne3A_531 = arith.xori %lt3A_526, %ne3A_530 : vector<16xi1>
      %and3A_532 = arith.andi %ne3A_531, %ne3A_523 : vector<16xi1>
      %add3A_533 = vector.broadcast %select_n3A_518 : i32 to vector<16xi32>
      %add3A_534 = arith.addi %rem3A_520, %add3A_533 : vector<16xi32>
      %select_n3A_535 = arith.select %and3A_532, %add3A_534, %rem3A_520 : vector<16xi1>, vector<16xi32>
      %add3A_536 = arith.constant 16 : i32
      %add3A_537 = vector.broadcast %add3A_536 : i32 to vector<16xi32>
      %add3A_538 = arith.addi %iota3A, %add3A_537 : vector<16xi32>
      %mul3A_539 = arith.constant 2000 : i32
      %mul3A_540 = vector.broadcast %mul3A_539 : i32 to vector<16xi32>
      %mul3A_541 = arith.muli %add3A_538, %mul3A_540 : vector<16xi32>
      %add3A_542 = arith.addi %mul3A_541, %select_n3A_535 : vector<16xi32>
      %min3A_543 = arith.constant 37999 : i32
      %min3A_544 = vector.broadcast %min3A_543 : i32 to vector<16xi32>
      %min3A_545 = arith.minsi %add3A_542, %min3A_544 : vector<16xi32>
      %swap3A_546 = arith.constant 16 : index
      %swap3A_547 = tpu.vector_load %arg22[%swap3A_546] {strides = array<i32>} : memref<32xi32, #tpu.memory_space<vmem>>, vector<16xi32>,
      %swap3A_548 = vector.shape_cast %swap3A_547 : vector<16xi32> to vector<16xi32>
      %swap3A_549 = vector.shape_cast %min3A_545 : vector<16xi32> to vector<16xi32>
      tpu.vector_store %arg22[%swap3A_546], %swap3A_549 {strides = array<i32>} : memref<32xi32, #tpu.memory_space<vmem>>, vector<16xi32>,
      %dma_start3A_550 = arith.constant 0 : i32
      %dma_start3A_551 = arith.constant 0 : i32
      %dma_start3A_552 = tpu.memref_slice %arg4[%dma_start3A_550, %dma_start3A_551] : memref<38000x128xf32, #tpu.memory_space<hbm>> -> memref<38000x128xf32, #tpu.memory_space<hbm>>
      tpu.enqueue_indirect_dma source(%dma_start3A_552 : memref<38000x128xf32, #tpu.memory_space<hbm>>) target(%arg23 : memref<32x128xf32, #tpu.memory_space<vmem>>) offsets(%arg22 : memref<32xi32, #tpu.memory_space<vmem>>) semaphore(%arg30 : memref<!tpu.dma_semaphore, #tpu.memory_space<semaphore_mem>>)
      %dma_wait3A_553 = arith.constant 0 : i32
      %dma_wait3A_554 = arith.constant 0 : i32
      %dma_wait3A_555 = tpu.memref_slice %arg4[%dma_wait3A_553, %dma_wait3A_554] : memref<38000x128xf32, #tpu.memory_space<hbm>> -> memref<38000x128xf32, #tpu.memory_space<hbm>>
      tpu.wait_indirect_dma semaphore(%arg30 : memref<!tpu.dma_semaphore, #tpu.memory_space<semaphore_mem>>) src(%dma_wait3A_555 : memref<38000x128xf32, #tpu.memory_space<hbm>>) dst(%arg23 : memref<32x128xf32, #tpu.memory_space<vmem>>)
      "tpu.region"() ({
        %run_scoped3A = tpu.sem_alloc : memref<!tpu.dma_semaphore, #tpu.memory_space<semaphore_mem>>
        tpu.enqueue_dma source(%arg23 : memref<32x128xf32, #tpu.memory_space<vmem>>) target(%arg11 : memref<32x128xf32, #tpu.memory_space<hbm>>) target_semaphore(%run_scoped3A : memref<!tpu.dma_semaphore, #tpu.memory_space<semaphore_mem>>)
        tpu.wait_dma2 semaphore(%run_scoped3A : memref<!tpu.dma_semaphore, #tpu.memory_space<semaphore_mem>>) src(%arg23 : memref<32x128xf32, #tpu.memory_space<vmem>>) dst(%arg11 : memref<32x128xf32, #tpu.memory_space<hbm>>)
        tpu.yield
      }) : () -> ()
    } else {
    }
    %barrier3A = arith.constant 0 : index
    tpu.barrier barrier_id(%barrier3A)
    %add3A_12 = arith.constant 0 : i32
    %add3A_13 = arith.addi %mul3A_2, %add3A_12 : i32
    %dma_start3A = arith.constant 0 : i32
    %dma_start3A_14 = tpu.memref_slice %arg2[%add3A_13, %dma_start3A] : memref<65536x128xf32, #tpu.memory_space<hbm>> -> memref<256x128xf32, #tpu.memory_space<hbm>>
    %dma_start3A_15 = arith.constant 0 : i32
    %dma_start3A_16 = tpu.memref_slice %arg2[%add3A_13, %dma_start3A_15] : memref<65536x128xf32, #tpu.memory_space<hbm>> -> memref<256x128xf32, #tpu.memory_space<hbm>>
    tpu.enqueue_dma source(%dma_start3A_16 : memref<256x128xf32, #tpu.memory_space<hbm>>) target(%arg12 : memref<256x128xf32, #tpu.memory_space<vmem>>) target_semaphore(%arg24 : memref<!tpu.dma_semaphore, #tpu.memory_space<semaphore_mem>>)
    %add3A_17 = arith.constant 0 : i32
    %add3A_18 = arith.addi %add3A_13, %add3A_17 : i32
    %dma_start3A_19 = tpu.memref_slice %arg3[%add3A_18] : memref<65536xi32, #tpu.memory_space<hbm>> -> memref<128xi32, #tpu.memory_space<hbm>>
    %dma_start3A_20 = tpu.memref_slice %arg3[%add3A_18] : memref<65536xi32, #tpu.memory_space<hbm>> -> memref<128xi32, #tpu.memory_space<hbm>>
    tpu.enqueue_dma source(%dma_start3A_20 : memref<128xi32, #tpu.memory_space<hbm>>) target(%arg14 : memref<128xi32, #tpu.memory_space<vmem>>) target_semaphore(%arg26 : memref<!tpu.dma_semaphore, #tpu.memory_space<semaphore_mem>>)
    %add3A_21 = arith.constant 128 : i32
    %add3A_22 = arith.addi %add3A_13, %add3A_21 : i32
    %dma_start3A_23 = tpu.memref_slice %arg3[%add3A_22] : memref<65536xi32, #tpu.memory_space<hbm>> -> memref<128xi32, #tpu.memory_space<hbm>>
    %dma_start3A_24 = tpu.memref_slice %arg3[%add3A_22] : memref<65536xi32, #tpu.memory_space<hbm>> -> memref<128xi32, #tpu.memory_space<hbm>>
    tpu.enqueue_dma source(%dma_start3A_24 : memref<128xi32, #tpu.memory_space<hbm>>) target(%arg15 : memref<128xi32, #tpu.memory_space<vmem>>) target_semaphore(%arg27 : memref<!tpu.dma_semaphore, #tpu.memory_space<semaphore_mem>>)
    %dma_wait3A = arith.constant 0 : i32
    %dma_wait3A_25 = tpu.memref_slice %arg2[%add3A_13, %dma_wait3A] : memref<65536x128xf32, #tpu.memory_space<hbm>> -> memref<256x128xf32, #tpu.memory_space<hbm>>
    %dma_wait3A_26 = arith.constant 0 : i32
    %dma_wait3A_27 = tpu.memref_slice %arg2[%add3A_13, %dma_wait3A_26] : memref<65536x128xf32, #tpu.memory_space<hbm>> -> memref<256x128xf32, #tpu.memory_space<hbm>>
    tpu.wait_dma2 semaphore(%arg24 : memref<!tpu.dma_semaphore, #tpu.memory_space<semaphore_mem>>) src(%dma_wait3A_27 : memref<256x128xf32, #tpu.memory_space<hbm>>) dst(%arg12 : memref<256x128xf32, #tpu.memory_space<vmem>>)
    %dma_wait3A_28 = tpu.memref_slice %arg3[%add3A_18] : memref<65536xi32, #tpu.memory_space<hbm>> -> memref<128xi32, #tpu.memory_space<hbm>>
    %dma_wait3A_29 = tpu.memref_slice %arg3[%add3A_18] : memref<65536xi32, #tpu.memory_space<hbm>> -> memref<128xi32, #tpu.memory_space<hbm>>
    tpu.wait_dma2 semaphore(%arg26 : memref<!tpu.dma_semaphore, #tpu.memory_space<semaphore_mem>>) src(%dma_wait3A_29 : memref<128xi32, #tpu.memory_space<hbm>>) dst(%arg14 : memref<128xi32, #tpu.memory_space<vmem>>)
    %dma_wait3A_30 = tpu.memref_slice %arg3[%add3A_22] : memref<65536xi32, #tpu.memory_space<hbm>> -> memref<128xi32, #tpu.memory_space<hbm>>
    %dma_wait3A_31 = tpu.memref_slice %arg3[%add3A_22] : memref<65536xi32, #tpu.memory_space<hbm>> -> memref<128xi32, #tpu.memory_space<hbm>>
    tpu.wait_dma2 semaphore(%arg27 : memref<!tpu.dma_semaphore, #tpu.memory_space<semaphore_mem>>) src(%dma_wait3A_31 : memref<128xi32, #tpu.memory_space<hbm>>) dst(%arg15 : memref<128xi32, #tpu.memory_space<vmem>>)
    %dma_start3A_32 = arith.constant 0 : i32
    %dma_start3A_33 = arith.constant 0 : i32
    %dma_start3A_34 = tpu.memref_slice %arg12[%dma_start3A_32, %dma_start3A_33] : memref<256x128xf32, #tpu.memory_space<vmem>> -> memref<128x128xf32, #tpu.memory_space<vmem>>
    %dma_start3A_35 = arith.constant 0 : i32
    %dma_start3A_36 = arith.constant 0 : i32
    %dma_start3A_37 = tpu.memref_slice %arg19[%dma_start3A_35, %dma_start3A_36] : memref<32x128xf32, #tpu.memory_space<vmem_shared>> -> memref<32x128xf32, #tpu.memory_space<vmem_shared>>
    tpu.enqueue_indirect_dma source(%dma_start3A_34 : memref<128x128xf32, #tpu.memory_space<vmem>>) target(%dma_start3A_37 : memref<32x128xf32, #tpu.memory_space<vmem_shared>>) offsets(%arg14 : memref<128xi32, #tpu.memory_space<vmem>>) semaphore(%arg31 : memref<!tpu.dma_semaphore, #tpu.memory_space<semaphore_mem>>) {add = true}
    %dma_start3A_38 = arith.constant 0 : i32
    %dma_start3A_39 = arith.constant 0 : i32
    %dma_start3A_40 = tpu.memref_slice %arg20[%dma_start3A_38, %dma_start3A_39] : memref<32x16xf32, #tpu.memory_space<vmem_shared>> -> memref<32x16xf32, #tpu.memory_space<vmem_shared>>
    tpu.enqueue_indirect_dma source(%arg18 : memref<128x16xf32, #tpu.memory_space<vmem>>) target(%dma_start3A_40 : memref<32x16xf32, #tpu.memory_space<vmem_shared>>) offsets(%arg14 : memref<128xi32, #tpu.memory_space<vmem>>) semaphore(%arg31 : memref<!tpu.dma_semaphore, #tpu.memory_space<semaphore_mem>>) {add = true}
    %dma_start3A_41 = arith.constant 128 : i32
    %dma_start3A_42 = arith.constant 0 : i32
    %dma_start3A_43 = tpu.memref_slice %arg12[%dma_start3A_41, %dma_start3A_42] : memref<256x128xf32, #tpu.memory_space<vmem>> -> memref<128x128xf32, #tpu.memory_space<vmem>>
    %dma_start3A_44 = arith.constant 0 : i32
    %dma_start3A_45 = arith.constant 0 : i32
    %dma_start3A_46 = tpu.memref_slice %arg19[%dma_start3A_44, %dma_start3A_45] : memref<32x128xf32, #tpu.memory_space<vmem_shared>> -> memref<32x128xf32, #tpu.memory_space<vmem_shared>>
    tpu.enqueue_indirect_dma source(%dma_start3A_43 : memref<128x128xf32, #tpu.memory_space<vmem>>) target(%dma_start3A_46 : memref<32x128xf32, #tpu.memory_space<vmem_shared>>) offsets(%arg15 : memref<128xi32, #tpu.memory_space<vmem>>) semaphore(%arg31 : memref<!tpu.dma_semaphore, #tpu.memory_space<semaphore_mem>>) {add = true}
    %dma_start3A_47 = arith.constant 0 : i32
    %dma_start3A_48 = arith.constant 0 : i32
    %dma_start3A_49 = tpu.memref_slice %arg20[%dma_start3A_47, %dma_start3A_48] : memref<32x16xf32, #tpu.memory_space<vmem_shared>> -> memref<32x16xf32, #tpu.memory_space<vmem_shared>>
    tpu.enqueue_indirect_dma source(%arg18 : memref<128x16xf32, #tpu.memory_space<vmem>>) target(%dma_start3A_49 : memref<32x16xf32, #tpu.memory_space<vmem_shared>>) offsets(%arg15 : memref<128xi32, #tpu.memory_space<vmem>>) semaphore(%arg31 : memref<!tpu.dma_semaphore, #tpu.memory_space<semaphore_mem>>) {add = true}
    %add3A_50 = arith.constant 256 : i32
    %add3A_51 = arith.addi %mul3A_2, %add3A_50 : i32
    %dma_start3A_52 = arith.constant 0 : i32
    %dma_start3A_53 = tpu.memref_slice %arg2[%add3A_51, %dma_start3A_52] : memref<65536x128xf32, #tpu.memory_space<hbm>> -> memref<256x128xf32, #tpu.memory_space<hbm>>
    %dma_start3A_54 = arith.constant 0 : i32
    %dma_start3A_55 = tpu.memref_slice %arg2[%add3A_51, %dma_start3A_54] : memref<65536x128xf32, #tpu.memory_space<hbm>> -> memref<256x128xf32, #tpu.memory_space<hbm>>
    tpu.enqueue_dma source(%dma_start3A_55 : memref<256x128xf32, #tpu.memory_space<hbm>>) target(%arg13 : memref<256x128xf32, #tpu.memory_space<vmem>>) target_semaphore(%arg25 : memref<!tpu.dma_semaphore, #tpu.memory_space<semaphore_mem>>)
    %add3A_56 = arith.constant 0 : i32
    %add3A_57 = arith.addi %add3A_51, %add3A_56 : i32
    %dma_start3A_58 = tpu.memref_slice %arg3[%add3A_57] : memref<65536xi32, #tpu.memory_space<hbm>> -> memref<128xi32, #tpu.memory_space<hbm>>
    %dma_start3A_59 = tpu.memref_slice %arg3[%add3A_57] : memref<65536xi32, #tpu.memory_space<hbm>> -> memref<128xi32, #tpu.memory_space<hbm>>
    tpu.enqueue_dma source(%dma_start3A_59 : memref<128xi32, #tpu.memory_space<hbm>>) target(%arg16 : memref<128xi32, #tpu.memory_space<vmem>>) target_semaphore(%arg28 : memref<!tpu.dma_semaphore, #tpu.memory_space<semaphore_mem>>)
    %add3A_60 = arith.constant 128 : i32
    %add3A_61 = arith.addi %add3A_51, %add3A_60 : i32
    %dma_start3A_62 = tpu.memref_slice %arg3[%add3A_61] : memref<65536xi32, #tpu.memory_space<hbm>> -> memref<128xi32, #tpu.memory_space<hbm>>
    %dma_start3A_63 = tpu.memref_slice %arg3[%add3A_61] : memref<65536xi32, #tpu.memory_space<hbm>> -> memref<128xi32, #tpu.memory_space<hbm>>
    tpu.enqueue_dma source(%dma_start3A_63 : memref<128xi32, #tpu.memory_space<hbm>>) target(%arg17 : memref<128xi32, #tpu.memory_space<vmem>>) target_semaphore(%arg29 : memref<!tpu.dma_semaphore, #tpu.memory_space<semaphore_mem>>)
    %dma_wait3A_64 = arith.constant 0 : i32
    %dma_wait3A_65 = tpu.memref_slice %arg2[%add3A_51, %dma_wait3A_64] : memref<65536x128xf32, #tpu.memory_space<hbm>> -> memref<256x128xf32, #tpu.memory_space<hbm>>
    %dma_wait3A_66 = arith.constant 0 : i32
    %dma_wait3A_67 = tpu.memref_slice %arg2[%add3A_51, %dma_wait3A_66] : memref<65536x128xf32, #tpu.memory_space<hbm>> -> memref<256x128xf32, #tpu.memory_space<hbm>>
    tpu.wait_dma2 semaphore(%arg25 : memref<!tpu.dma_semaphore, #tpu.memory_space<semaphore_mem>>) src(%dma_wait3A_67 : memref<256x128xf32, #tpu.memory_space<hbm>>) dst(%arg13 : memref<256x128xf32, #tpu.memory_space<vmem>>)
    %dma_wait3A_68 = tpu.memref_slice %arg3[%add3A_57] : memref<65536xi32, #tpu.memory_space<hbm>> -> memref<128xi32, #tpu.memory_space<hbm>>
    %dma_wait3A_69 = tpu.memref_slice %arg3[%add3A_57] : memref<65536xi32, #tpu.memory_space<hbm>> -> memref<128xi32, #tpu.memory_space<hbm>>
    tpu.wait_dma2 semaphore(%arg28 : memref<!tpu.dma_semaphore, #tpu.memory_space<semaphore_mem>>) src(%dma_wait3A_69 : memref<128xi32, #tpu.memory_space<hbm>>) dst(%arg16 : memref<128xi32, #tpu.memory_space<vmem>>)
    %dma_wait3A_70 = tpu.memref_slice %arg3[%add3A_61] : memref<65536xi32, #tpu.memory_space<hbm>> -> memref<128xi32, #tpu.memory_space<hbm>>
    %dma_wait3A_71 = tpu.memref_slice %arg3[%add3A_61] : memref<65536xi32, #tpu.memory_space<hbm>> -> memref<128xi32, #tpu.memory_space<hbm>>
    tpu.wait_dma2 semaphore(%arg29 : memref<!tpu.dma_semaphore, #tpu.memory_space<semaphore_mem>>) src(%dma_wait3A_71 : memref<128xi32, #tpu.memory_space<hbm>>) dst(%arg17 : memref<128xi32, #tpu.memory_space<vmem>>)
    %dma_start3A_72 = arith.constant 0 : i32
    %dma_start3A_73 = arith.constant 0 : i32
    %dma_start3A_74 = tpu.memref_slice %arg13[%dma_start3A_72, %dma_start3A_73] : memref<256x128xf32, #tpu.memory_space<vmem>> -> memref<128x128xf32, #tpu.memory_space<vmem>>
    %dma_start3A_75 = arith.constant 0 : i32
    %dma_start3A_76 = arith.constant 0 : i32
    %dma_start3A_77 = tpu.memref_slice %arg19[%dma_start3A_75, %dma_start3A_76] : memref<32x128xf32, #tpu.memory_space<vmem_shared>> -> memref<32x128xf32, #tpu.memory_space<vmem_shared>>
    tpu.enqueue_indirect_dma source(%dma_start3A_74 : memref<128x128xf32, #tpu.memory_space<vmem>>) target(%dma_start3A_77 : memref<32x128xf32, #tpu.memory_space<vmem_shared>>) offsets(%arg16 : memref<128xi32, #tpu.memory_space<vmem>>) semaphore(%arg32 : memref<!tpu.dma_semaphore, #tpu.memory_space<semaphore_mem>>) {add = true}
    %dma_start3A_78 = arith.constant 0 : i32
    %dma_start3A_79 = arith.constant 0 : i32
    %dma_start3A_80 = tpu.memref_slice %arg20[%dma_start3A_78, %dma_start3A_79] : memref<32x16xf32, #tpu.memory_space<vmem_shared>> -> memref<32x16xf32, #tpu.memory_space<vmem_shared>>
    tpu.enqueue_indirect_dma source(%arg18 : memref<128x16xf32, #tpu.memory_space<vmem>>) target(%dma_start3A_80 : memref<32x16xf32, #tpu.memory_space<vmem_shared>>) offsets(%arg16 : memref<128xi32, #tpu.memory_space<vmem>>) semaphore(%arg32 : memref<!tpu.dma_semaphore, #tpu.memory_space<semaphore_mem>>) {add = true}
    %dma_start3A_81 = arith.constant 128 : i32
    %dma_start3A_82 = arith.constant 0 : i32
    %dma_start3A_83 = tpu.memref_slice %arg13[%dma_start3A_81, %dma_start3A_82] : memref<256x128xf32, #tpu.memory_space<vmem>> -> memref<128x128xf32, #tpu.memory_space<vmem>>
    %dma_start3A_84 = arith.constant 0 : i32
    %dma_start3A_85 = arith.constant 0 : i32
    %dma_start3A_86 = tpu.memref_slice %arg19[%dma_start3A_84, %dma_start3A_85] : memref<32x128xf32, #tpu.memory_space<vmem_shared>> -> memref<32x128xf32, #tpu.memory_space<vmem_shared>>
    tpu.enqueue_indirect_dma source(%dma_start3A_83 : memref<128x128xf32, #tpu.memory_space<vmem>>) target(%dma_start3A_86 : memref<32x128xf32, #tpu.memory_space<vmem_shared>>) offsets(%arg17 : memref<128xi32, #tpu.memory_space<vmem>>) semaphore(%arg32 : memref<!tpu.dma_semaphore, #tpu.memory_space<semaphore_mem>>) {add = true}
    %dma_start3A_87 = arith.constant 0 : i32
    %dma_start3A_88 = arith.constant 0 : i32
    %dma_start3A_89 = tpu.memref_slice %arg20[%dma_start3A_87, %dma_start3A_88] : memref<32x16xf32, #tpu.memory_space<vmem_shared>> -> memref<32x16xf32, #tpu.memory_space<vmem_shared>>
    tpu.enqueue_indirect_dma source(%arg18 : memref<128x16xf32, #tpu.memory_space<vmem>>) target(%dma_start3A_89 : memref<32x16xf32, #tpu.memory_space<vmem_shared>>) offsets(%arg17 : memref<128xi32, #tpu.memory_space<vmem>>) semaphore(%arg32 : memref<!tpu.dma_semaphore, #tpu.memory_space<semaphore_mem>>) {add = true}
    %dma_wait3A_90 = arith.constant 0 : i32
    %dma_wait3A_91 = arith.constant 0 : i32
    %dma_wait3A_92 = tpu.memref_slice %arg12[%dma_wait3A_90, %dma_wait3A_91] : memref<256x128xf32, #tpu.memory_space<vmem>> -> memref<128x128xf32, #tpu.memory_space<vmem>>
    %dma_wait3A_93 = arith.constant 0 : i32
    %dma_wait3A_94 = arith.constant 0 : i32
    %dma_wait3A_95 = tpu.memref_slice %arg19[%dma_wait3A_93, %dma_wait3A_94] : memref<32x128xf32, #tpu.memory_space<vmem_shared>> -> memref<32x128xf32, #tpu.memory_space<vmem_shared>>
    tpu.wait_indirect_dma semaphore(%arg31 : memref<!tpu.dma_semaphore, #tpu.memory_space<semaphore_mem>>) src(%dma_wait3A_92 : memref<128x128xf32, #tpu.memory_space<vmem>>) dst(%dma_wait3A_95 : memref<32x128xf32, #tpu.memory_space<vmem_shared>>)
    %dma_wait3A_96 = arith.constant 0 : i32
    %dma_wait3A_97 = arith.constant 0 : i32
    %dma_wait3A_98 = tpu.memref_slice %arg20[%dma_wait3A_96, %dma_wait3A_97] : memref<32x16xf32, #tpu.memory_space<vmem_shared>> -> memref<32x16xf32, #tpu.memory_space<vmem_shared>>
    tpu.wait_indirect_dma semaphore(%arg31 : memref<!tpu.dma_semaphore, #tpu.memory_space<semaphore_mem>>) src(%arg18 : memref<128x16xf32, #tpu.memory_space<vmem>>) dst(%dma_wait3A_98 : memref<32x16xf32, #tpu.memory_space<vmem_shared>>)
    %dma_wait3A_99 = arith.constant 128 : i32
    %dma_wait3A_100 = arith.constant 0 : i32
    %dma_wait3A_101 = tpu.memref_slice %arg12[%dma_wait3A_99, %dma_wait3A_100] : memref<256x128xf32, #tpu.memory_space<vmem>> -> memref<128x128xf32, #tpu.memory_space<vmem>>
    %dma_wait3A_102 = arith.constant 0 : i32
    %dma_wait3A_103 = arith.constant 0 : i32
    %dma_wait3A_104 = tpu.memref_slice %arg19[%dma_wait3A_102, %dma_wait3A_103] : memref<32x128xf32, #tpu.memory_space<vmem_shared>> -> memref<32x128xf32, #tpu.memory_space<vmem_shared>>
    tpu.wait_indirect_dma semaphore(%arg31 : memref<!tpu.dma_semaphore, #tpu.memory_space<semaphore_mem>>) src(%dma_wait3A_101 : memref<128x128xf32, #tpu.memory_space<vmem>>) dst(%dma_wait3A_104 : memref<32x128xf32, #tpu.memory_space<vmem_shared>>)
    %dma_wait3A_105 = arith.constant 0 : i32
    %dma_wait3A_106 = arith.constant 0 : i32
    %dma_wait3A_107 = tpu.memref_slice %arg20[%dma_wait3A_105, %dma_wait3A_106] : memref<32x16xf32, #tpu.memory_space<vmem_shared>> -> memref<32x16xf32, #tpu.memory_space<vmem_shared>>
    tpu.wait_indirect_dma semaphore(%arg31 : memref<!tpu.dma_semaphore, #tpu.memory_space<semaphore_mem>>) src(%arg18 : memref<128x16xf32, #tpu.memory_space<vmem>>) dst(%dma_wait3A_107 : memref<32x16xf32, #tpu.memory_space<vmem_shared>>)
    %add3A_108 = arith.constant 512 : i32
    %add3A_109 = arith.addi %mul3A_2, %add3A_108 : i32
    %dma_start3A_110 = arith.constant 0 : i32
    %dma_start3A_111 = tpu.memref_slice %arg2[%add3A_109, %dma_start3A_110] : memref<65536x128xf32, #tpu.memory_space<hbm>> -> memref<256x128xf32, #tpu.memory_space<hbm>>
    %dma_start3A_112 = arith.constant 0 : i32
    %dma_start3A_113 = tpu.memref_slice %arg2[%add3A_109, %dma_start3A_112] : memref<65536x128xf32, #tpu.memory_space<hbm>> -> memref<256x128xf32, #tpu.memory_space<hbm>>
    tpu.enqueue_dma source(%dma_start3A_113 : memref<256x128xf32, #tpu.memory_space<hbm>>) target(%arg12 : memref<256x128xf32, #tpu.memory_space<vmem>>) target_semaphore(%arg24 : memref<!tpu.dma_semaphore, #tpu.memory_space<semaphore_mem>>)
    %add3A_114 = arith.constant 0 : i32
    %add3A_115 = arith.addi %add3A_109, %add3A_114 : i32
    %dma_start3A_116 = tpu.memref_slice %arg3[%add3A_115] : memref<65536xi32, #tpu.memory_space<hbm>> -> memref<128xi32, #tpu.memory_space<hbm>>
    %dma_start3A_117 = tpu.memref_slice %arg3[%add3A_115] : memref<65536xi32, #tpu.memory_space<hbm>> -> memref<128xi32, #tpu.memory_space<hbm>>
    tpu.enqueue_dma source(%dma_start3A_117 : memref<128xi32, #tpu.memory_space<hbm>>) target(%arg14 : memref<128xi32, #tpu.memory_space<vmem>>) target_semaphore(%arg26 : memref<!tpu.dma_semaphore, #tpu.memory_space<semaphore_mem>>)
    %add3A_118 = arith.constant 128 : i32
    %add3A_119 = arith.addi %add3A_109, %add3A_118 : i32
    %dma_start3A_120 = tpu.memref_slice %arg3[%add3A_119] : memref<65536xi32, #tpu.memory_space<hbm>> -> memref<128xi32, #tpu.memory_space<hbm>>
    %dma_start3A_121 = tpu.memref_slice %arg3[%add3A_119] : memref<65536xi32, #tpu.memory_space<hbm>> -> memref<128xi32, #tpu.memory_space<hbm>>
    tpu.enqueue_dma source(%dma_start3A_121 : memref<128xi32, #tpu.memory_space<hbm>>) target(%arg15 : memref<128xi32, #tpu.memory_space<vmem>>) target_semaphore(%arg27 : memref<!tpu.dma_semaphore, #tpu.memory_space<semaphore_mem>>)
    %dma_wait3A_122 = arith.constant 0 : i32
    %dma_wait3A_123 = tpu.memref_slice %arg2[%add3A_109, %dma_wait3A_122] : memref<65536x128xf32, #tpu.memory_space<hbm>> -> memref<256x128xf32, #tpu.memory_space<hbm>>
    %dma_wait3A_124 = arith.constant 0 : i32
    %dma_wait3A_125 = tpu.memref_slice %arg2[%add3A_109, %dma_wait3A_124] : memref<65536x128xf32, #tpu.memory_space<hbm>> -> memref<256x128xf32, #tpu.memory_space<hbm>>
    tpu.wait_dma2 semaphore(%arg24 : memref<!tpu.dma_semaphore, #tpu.memory_space<semaphore_mem>>) src(%dma_wait3A_125 : memref<256x128xf32, #tpu.memory_space<hbm>>) dst(%arg12 : memref<256x128xf32, #tpu.memory_space<vmem>>)
    %dma_wait3A_126 = tpu.memref_slice %arg3[%add3A_115] : memref<65536xi32, #tpu.memory_space<hbm>> -> memref<128xi32, #tpu.memory_space<hbm>>
    %dma_wait3A_127 = tpu.memref_slice %arg3[%add3A_115] : memref<65536xi32, #tpu.memory_space<hbm>> -> memref<128xi32, #tpu.memory_space<hbm>>
    tpu.wait_dma2 semaphore(%arg26 : memref<!tpu.dma_semaphore, #tpu.memory_space<semaphore_mem>>) src(%dma_wait3A_127 : memref<128xi32, #tpu.memory_space<hbm>>) dst(%arg14 : memref<128xi32, #tpu.memory_space<vmem>>)
    %dma_wait3A_128 = tpu.memref_slice %arg3[%add3A_119] : memref<65536xi32, #tpu.memory_space<hbm>> -> memref<128xi32, #tpu.memory_space<hbm>>
    %dma_wait3A_129 = tpu.memref_slice %arg3[%add3A_119] : memref<65536xi32, #tpu.memory_space<hbm>> -> memref<128xi32, #tpu.memory_space<hbm>>
    tpu.wait_dma2 semaphore(%arg27 : memref<!tpu.dma_semaphore, #tpu.memory_space<semaphore_mem>>) src(%dma_wait3A_129 : memref<128xi32, #tpu.memory_space<hbm>>) dst(%arg15 : memref<128xi32, #tpu.memory_space<vmem>>)
    %dma_start3A_130 = arith.constant 0 : i32
    %dma_start3A_131 = arith.constant 0 : i32
    %dma_start3A_132 = tpu.memref_slice %arg12[%dma_start3A_130, %dma_start3A_131] : memref<256x128xf32, #tpu.memory_space<vmem>> -> memref<128x128xf32, #tpu.memory_space<vmem>>
    %dma_start3A_133 = arith.constant 0 : i32
    %dma_start3A_134 = arith.constant 0 : i32
    %dma_start3A_135 = tpu.memref_slice %arg19[%dma_start3A_133, %dma_start3A_134] : memref<32x128xf32, #tpu.memory_space<vmem_shared>> -> memref<32x128xf32, #tpu.memory_space<vmem_shared>>
    tpu.enqueue_indirect_dma source(%dma_start3A_132 : memref<128x128xf32, #tpu.memory_space<vmem>>) target(%dma_start3A_135 : memref<32x128xf32, #tpu.memory_space<vmem_shared>>) offsets(%arg14 : memref<128xi32, #tpu.memory_space<vmem>>) semaphore(%arg31 : memref<!tpu.dma_semaphore, #tpu.memory_space<semaphore_mem>>) {add = true}
    %dma_start3A_136 = arith.constant 0 : i32
    %dma_start3A_137 = arith.constant 0 : i32
    %dma_start3A_138 = tpu.memref_slice %arg20[%dma_start3A_136, %dma_start3A_137] : memref<32x16xf32, #tpu.memory_space<vmem_shared>> -> memref<32x16xf32, #tpu.memory_space<vmem_shared>>
    tpu.enqueue_indirect_dma source(%arg18 : memref<128x16xf32, #tpu.memory_space<vmem>>) target(%dma_start3A_138 : memref<32x16xf32, #tpu.memory_space<vmem_shared>>) offsets(%arg14 : memref<128xi32, #tpu.memory_space<vmem>>) semaphore(%arg31 : memref<!tpu.dma_semaphore, #tpu.memory_space<semaphore_mem>>) {add = true}
    %dma_start3A_139 = arith.constant 128 : i32
    %dma_start3A_140 = arith.constant 0 : i32
    %dma_start3A_141 = tpu.memref_slice %arg12[%dma_start3A_139, %dma_start3A_140] : memref<256x128xf32, #tpu.memory_space<vmem>> -> memref<128x128xf32, #tpu.memory_space<vmem>>
    %dma_start3A_142 = arith.constant 0 : i32
    %dma_start3A_143 = arith.constant 0 : i32
    %dma_start3A_144 = tpu.memref_slice %arg19[%dma_start3A_142, %dma_start3A_143] : memref<32x128xf32, #tpu.memory_space<vmem_shared>> -> memref<32x128xf32, #tpu.memory_space<vmem_shared>>
    tpu.enqueue_indirect_dma source(%dma_start3A_141 : memref<128x128xf32, #tpu.memory_space<vmem>>) target(%dma_start3A_144 : memref<32x128xf32, #tpu.memory_space<vmem_shared>>) offsets(%arg15 : memref<128xi32, #tpu.memory_space<vmem>>) semaphore(%arg31 : memref<!tpu.dma_semaphore, #tpu.memory_space<semaphore_mem>>) {add = true}
    %dma_start3A_145 = arith.constant 0 : i32
    %dma_start3A_146 = arith.constant 0 : i32
    %dma_start3A_147 = tpu.memref_slice %arg20[%dma_start3A_145, %dma_start3A_146] : memref<32x16xf32, #tpu.memory_space<vmem_shared>> -> memref<32x16xf32, #tpu.memory_space<vmem_shared>>
    tpu.enqueue_indirect_dma source(%arg18 : memref<128x16xf32, #tpu.memory_space<vmem>>) target(%dma_start3A_147 : memref<32x16xf32, #tpu.memory_space<vmem_shared>>) offsets(%arg15 : memref<128xi32, #tpu.memory_space<vmem>>) semaphore(%arg31 : memref<!tpu.dma_semaphore, #tpu.memory_space<semaphore_mem>>) {add = true}
    %dma_wait3A_148 = arith.constant 0 : i32
    %dma_wait3A_149 = arith.constant 0 : i32
    %dma_wait3A_150 = tpu.memref_slice %arg13[%dma_wait3A_148, %dma_wait3A_149] : memref<256x128xf32, #tpu.memory_space<vmem>> -> memref<128x128xf32, #tpu.memory_space<vmem>>
    %dma_wait3A_151 = arith.constant 0 : i32
    %dma_wait3A_152 = arith.constant 0 : i32
    %dma_wait3A_153 = tpu.memref_slice %arg19[%dma_wait3A_151, %dma_wait3A_152] : memref<32x128xf32, #tpu.memory_space<vmem_shared>> -> memref<32x128xf32, #tpu.memory_space<vmem_shared>>
    tpu.wait_indirect_dma semaphore(%arg32 : memref<!tpu.dma_semaphore, #tpu.memory_space<semaphore_mem>>) src(%dma_wait3A_150 : memref<128x128xf32, #tpu.memory_space<vmem>>) dst(%dma_wait3A_153 : memref<32x128xf32, #tpu.memory_space<vmem_shared>>)
    %dma_wait3A_154 = arith.constant 0 : i32
    %dma_wait3A_155 = arith.constant 0 : i32
    %dma_wait3A_156 = tpu.memref_slice %arg20[%dma_wait3A_154, %dma_wait3A_155] : memref<32x16xf32, #tpu.memory_space<vmem_shared>> -> memref<32x16xf32, #tpu.memory_space<vmem_shared>>
    tpu.wait_indirect_dma semaphore(%arg32 : memref<!tpu.dma_semaphore, #tpu.memory_space<semaphore_mem>>) src(%arg18 : memref<128x16xf32, #tpu.memory_space<vmem>>) dst(%dma_wait3A_156 : memref<32x16xf32, #tpu.memory_space<vmem_shared>>)
    %dma_wait3A_157 = arith.constant 128 : i32
    %dma_wait3A_158 = arith.constant 0 : i32
    %dma_wait3A_159 = tpu.memref_slice %arg13[%dma_wait3A_157, %dma_wait3A_158] : memref<256x128xf32, #tpu.memory_space<vmem>> -> memref<128x128xf32, #tpu.memory_space<vmem>>
    %dma_wait3A_160 = arith.constant 0 : i32
    %dma_wait3A_161 = arith.constant 0 : i32
    %dma_wait3A_162 = tpu.memref_slice %arg19[%dma_wait3A_160, %dma_wait3A_161] : memref<32x128xf32, #tpu.memory_space<vmem_shared>> -> memref<32x128xf32, #tpu.memory_space<vmem_shared>>
    tpu.wait_indirect_dma semaphore(%arg32 : memref<!tpu.dma_semaphore, #tpu.memory_space<semaphore_mem>>) src(%dma_wait3A_159 : memref<128x128xf32, #tpu.memory_space<vmem>>) dst(%dma_wait3A_162 : memref<32x128xf32, #tpu.memory_space<vmem_shared>>)
    %dma_wait3A_163 = arith.constant 0 : i32
    %dma_wait3A_164 = arith.constant 0 : i32
    %dma_wait3A_165 = tpu.memref_slice %arg20[%dma_wait3A_163, %dma_wait3A_164] : memref<32x16xf32, #tpu.memory_space<vmem_shared>> -> memref<32x16xf32, #tpu.memory_space<vmem_shared>>
    tpu.wait_indirect_dma semaphore(%arg32 : memref<!tpu.dma_semaphore, #tpu.memory_space<semaphore_mem>>) src(%arg18 : memref<128x16xf32, #tpu.memory_space<vmem>>) dst(%dma_wait3A_165 : memref<32x16xf32, #tpu.memory_space<vmem_shared>>)
    %add3A_166 = arith.constant 768 : i32
    %add3A_167 = arith.addi %mul3A_2, %add3A_166 : i32
    %dma_start3A_168 = arith.constant 0 : i32
    %dma_start3A_169 = tpu.memref_slice %arg2[%add3A_167, %dma_start3A_168] : memref<65536x128xf32, #tpu.memory_space<hbm>> -> memref<256x128xf32, #tpu.memory_space<hbm>>
    %dma_start3A_170 = arith.constant 0 : i32
    %dma_start3A_171 = tpu.memref_slice %arg2[%add3A_167, %dma_start3A_170] : memref<65536x128xf32, #tpu.memory_space<hbm>> -> memref<256x128xf32, #tpu.memory_space<hbm>>
    tpu.enqueue_dma source(%dma_start3A_171 : memref<256x128xf32, #tpu.memory_space<hbm>>) target(%arg13 : memref<256x128xf32, #tpu.memory_space<vmem>>) target_semaphore(%arg25 : memref<!tpu.dma_semaphore, #tpu.memory_space<semaphore_mem>>)
    %add3A_172 = arith.constant 0 : i32
    %add3A_173 = arith.addi %add3A_167, %add3A_172 : i32
    %dma_start3A_174 = tpu.memref_slice %arg3[%add3A_173] : memref<65536xi32, #tpu.memory_space<hbm>> -> memref<128xi32, #tpu.memory_space<hbm>>
    %dma_start3A_175 = tpu.memref_slice %arg3[%add3A_173] : memref<65536xi32, #tpu.memory_space<hbm>> -> memref<128xi32, #tpu.memory_space<hbm>>
    tpu.enqueue_dma source(%dma_start3A_175 : memref<128xi32, #tpu.memory_space<hbm>>) target(%arg16 : memref<128xi32, #tpu.memory_space<vmem>>) target_semaphore(%arg28 : memref<!tpu.dma_semaphore, #tpu.memory_space<semaphore_mem>>)
    %add3A_176 = arith.constant 128 : i32
    %add3A_177 = arith.addi %add3A_167, %add3A_176 : i32
    %dma_start3A_178 = tpu.memref_slice %arg3[%add3A_177] : memref<65536xi32, #tpu.memory_space<hbm>> -> memref<128xi32, #tpu.memory_space<hbm>>
    %dma_start3A_179 = tpu.memref_slice %arg3[%add3A_177] : memref<65536xi32, #tpu.memory_space<hbm>> -> memref<128xi32, #tpu.memory_space<hbm>>
    tpu.enqueue_dma source(%dma_start3A_179 : memref<128xi32, #tpu.memory_space<hbm>>) target(%arg17 : memref<128xi32, #tpu.memory_space<vmem>>) target_semaphore(%arg29 : memref<!tpu.dma_semaphore, #tpu.memory_space<semaphore_mem>>)
    %dma_wait3A_180 = arith.constant 0 : i32
    %dma_wait3A_181 = tpu.memref_slice %arg2[%add3A_167, %dma_wait3A_180] : memref<65536x128xf32, #tpu.memory_space<hbm>> -> memref<256x128xf32, #tpu.memory_space<hbm>>
    %dma_wait3A_182 = arith.constant 0 : i32
    %dma_wait3A_183 = tpu.memref_slice %arg2[%add3A_167, %dma_wait3A_182] : memref<65536x128xf32, #tpu.memory_space<hbm>> -> memref<256x128xf32, #tpu.memory_space<hbm>>
    tpu.wait_dma2 semaphore(%arg25 : memref<!tpu.dma_semaphore, #tpu.memory_space<semaphore_mem>>) src(%dma_wait3A_183 : memref<256x128xf32, #tpu.memory_space<hbm>>) dst(%arg13 : memref<256x128xf32, #tpu.memory_space<vmem>>)
    %dma_wait3A_184 = tpu.memref_slice %arg3[%add3A_173] : memref<65536xi32, #tpu.memory_space<hbm>> -> memref<128xi32, #tpu.memory_space<hbm>>
    %dma_wait3A_185 = tpu.memref_slice %arg3[%add3A_173] : memref<65536xi32, #tpu.memory_space<hbm>> -> memref<128xi32, #tpu.memory_space<hbm>>
    tpu.wait_dma2 semaphore(%arg28 : memref<!tpu.dma_semaphore, #tpu.memory_space<semaphore_mem>>) src(%dma_wait3A_185 : memref<128xi32, #tpu.memory_space<hbm>>) dst(%arg16 : memref<128xi32, #tpu.memory_space<vmem>>)
    %dma_wait3A_186 = tpu.memref_slice %arg3[%add3A_177] : memref<65536xi32, #tpu.memory_space<hbm>> -> memref<128xi32, #tpu.memory_space<hbm>>
    %dma_wait3A_187 = tpu.memref_slice %arg3[%add3A_177] : memref<65536xi32, #tpu.memory_space<hbm>> -> memref<128xi32, #tpu.memory_space<hbm>>
    tpu.wait_dma2 semaphore(%arg29 : memref<!tpu.dma_semaphore, #tpu.memory_space<semaphore_mem>>) src(%dma_wait3A_187 : memref<128xi32, #tpu.memory_space<hbm>>) dst(%arg17 : memref<128xi32, #tpu.memory_space<vmem>>)
    %dma_start3A_188 = arith.constant 0 : i32
    %dma_start3A_189 = arith.constant 0 : i32
    %dma_start3A_190 = tpu.memref_slice %arg13[%dma_start3A_188, %dma_start3A_189] : memref<256x128xf32, #tpu.memory_space<vmem>> -> memref<128x128xf32, #tpu.memory_space<vmem>>
    %dma_start3A_191 = arith.constant 0 : i32
    %dma_start3A_192 = arith.constant 0 : i32
    %dma_start3A_193 = tpu.memref_slice %arg19[%dma_start3A_191, %dma_start3A_192] : memref<32x128xf32, #tpu.memory_space<vmem_shared>> -> memref<32x128xf32, #tpu.memory_space<vmem_shared>>
    tpu.enqueue_indirect_dma source(%dma_start3A_190 : memref<128x128xf32, #tpu.memory_space<vmem>>) target(%dma_start3A_193 : memref<32x128xf32, #tpu.memory_space<vmem_shared>>) offsets(%arg16 : memref<128xi32, #tpu.memory_space<vmem>>) semaphore(%arg32 : memref<!tpu.dma_semaphore, #tpu.memory_space<semaphore_mem>>) {add = true}
    %dma_start3A_194 = arith.constant 0 : i32
    %dma_start3A_195 = arith.constant 0 : i32
    %dma_start3A_196 = tpu.memref_slice %arg20[%dma_start3A_194, %dma_start3A_195] : memref<32x16xf32, #tpu.memory_space<vmem_shared>> -> memref<32x16xf32, #tpu.memory_space<vmem_shared>>
    tpu.enqueue_indirect_dma source(%arg18 : memref<128x16xf32, #tpu.memory_space<vmem>>) target(%dma_start3A_196 : memref<32x16xf32, #tpu.memory_space<vmem_shared>>) offsets(%arg16 : memref<128xi32, #tpu.memory_space<vmem>>) semaphore(%arg32 : memref<!tpu.dma_semaphore, #tpu.memory_space<semaphore_mem>>) {add = true}
    %dma_start3A_197 = arith.constant 128 : i32
    %dma_start3A_198 = arith.constant 0 : i32
    %dma_start3A_199 = tpu.memref_slice %arg13[%dma_start3A_197, %dma_start3A_198] : memref<256x128xf32, #tpu.memory_space<vmem>> -> memref<128x128xf32, #tpu.memory_space<vmem>>
    %dma_start3A_200 = arith.constant 0 : i32
    %dma_start3A_201 = arith.constant 0 : i32
    %dma_start3A_202 = tpu.memref_slice %arg19[%dma_start3A_200, %dma_start3A_201] : memref<32x128xf32, #tpu.memory_space<vmem_shared>> -> memref<32x128xf32, #tpu.memory_space<vmem_shared>>
    tpu.enqueue_indirect_dma source(%dma_start3A_199 : memref<128x128xf32, #tpu.memory_space<vmem>>) target(%dma_start3A_202 : memref<32x128xf32, #tpu.memory_space<vmem_shared>>) offsets(%arg17 : memref<128xi32, #tpu.memory_space<vmem>>) semaphore(%arg32 : memref<!tpu.dma_semaphore, #tpu.memory_space<semaphore_mem>>) {add = true}
    %dma_start3A_203 = arith.constant 0 : i32
    %dma_start3A_204 = arith.constant 0 : i32
    %dma_start3A_205 = tpu.memref_slice %arg20[%dma_start3A_203, %dma_start3A_204] : memref<32x16xf32, #tpu.memory_space<vmem_shared>> -> memref<32x16xf32, #tpu.memory_space<vmem_shared>>
    tpu.enqueue_indirect_dma source(%arg18 : memref<128x16xf32, #tpu.memory_space<vmem>>) target(%dma_start3A_205 : memref<32x16xf32, #tpu.memory_space<vmem_shared>>) offsets(%arg17 : memref<128xi32, #tpu.memory_space<vmem>>) semaphore(%arg32 : memref<!tpu.dma_semaphore, #tpu.memory_space<semaphore_mem>>) {add = true}
    %dma_wait3A_206 = arith.constant 0 : i32
    %dma_wait3A_207 = arith.constant 0 : i32
    %dma_wait3A_208 = tpu.memref_slice %arg12[%dma_wait3A_206, %dma_wait3A_207] : memref<256x128xf32, #tpu.memory_space<vmem>> -> memref<128x128xf32, #tpu.memory_space<vmem>>
    %dma_wait3A_209 = arith.constant 0 : i32
    %dma_wait3A_210 = arith.constant 0 : i32
    %dma_wait3A_211 = tpu.memref_slice %arg19[%dma_wait3A_209, %dma_wait3A_210] : memref<32x128xf32, #tpu.memory_space<vmem_shared>> -> memref<32x128xf32, #tpu.memory_space<vmem_shared>>
    tpu.wait_indirect_dma semaphore(%arg31 : memref<!tpu.dma_semaphore, #tpu.memory_space<semaphore_mem>>) src(%dma_wait3A_208 : memref<128x128xf32, #tpu.memory_space<vmem>>) dst(%dma_wait3A_211 : memref<32x128xf32, #tpu.memory_space<vmem_shared>>)
    %dma_wait3A_212 = arith.constant 0 : i32
    %dma_wait3A_213 = arith.constant 0 : i32
    %dma_wait3A_214 = tpu.memref_slice %arg20[%dma_wait3A_212, %dma_wait3A_213] : memref<32x16xf32, #tpu.memory_space<vmem_shared>> -> memref<32x16xf32, #tpu.memory_space<vmem_shared>>
    tpu.wait_indirect_dma semaphore(%arg31 : memref<!tpu.dma_semaphore, #tpu.memory_space<semaphore_mem>>) src(%arg18 : memref<128x16xf32, #tpu.memory_space<vmem>>) dst(%dma_wait3A_214 : memref<32x16xf32, #tpu.memory_space<vmem_shared>>)
    %dma_wait3A_215 = arith.constant 128 : i32
    %dma_wait3A_216 = arith.constant 0 : i32
    %dma_wait3A_217 = tpu.memref_slice %arg12[%dma_wait3A_215, %dma_wait3A_216] : memref<256x128xf32, #tpu.memory_space<vmem>> -> memref<128x128xf32, #tpu.memory_space<vmem>>
    %dma_wait3A_218 = arith.constant 0 : i32
    %dma_wait3A_219 = arith.constant 0 : i32
    %dma_wait3A_220 = tpu.memref_slice %arg19[%dma_wait3A_218, %dma_wait3A_219] : memref<32x128xf32, #tpu.memory_space<vmem_shared>> -> memref<32x128xf32, #tpu.memory_space<vmem_shared>>
    tpu.wait_indirect_dma semaphore(%arg31 : memref<!tpu.dma_semaphore, #tpu.memory_space<semaphore_mem>>) src(%dma_wait3A_217 : memref<128x128xf32, #tpu.memory_space<vmem>>) dst(%dma_wait3A_220 : memref<32x128xf32, #tpu.memory_space<vmem_shared>>)
    %dma_wait3A_221 = arith.constant 0 : i32
    %dma_wait3A_222 = arith.constant 0 : i32
    %dma_wait3A_223 = tpu.memref_slice %arg20[%dma_wait3A_221, %dma_wait3A_222] : memref<32x16xf32, #tpu.memory_space<vmem_shared>> -> memref<32x16xf32, #tpu.memory_space<vmem_shared>>
    tpu.wait_indirect_dma semaphore(%arg31 : memref<!tpu.dma_semaphore, #tpu.memory_space<semaphore_mem>>) src(%arg18 : memref<128x16xf32, #tpu.memory_space<vmem>>) dst(%dma_wait3A_223 : memref<32x16xf32, #tpu.memory_space<vmem_shared>>)
    %add3A_224 = arith.constant 1024 : i32
    %add3A_225 = arith.addi %mul3A_2, %add3A_224 : i32
    %dma_start3A_226 = arith.constant 0 : i32
    %dma_start3A_227 = tpu.memref_slice %arg2[%add3A_225, %dma_start3A_226] : memref<65536x128xf32, #tpu.memory_space<hbm>> -> memref<256x128xf32, #tpu.memory_space<hbm>>
    %dma_start3A_228 = arith.constant 0 : i32
    %dma_start3A_229 = tpu.memref_slice %arg2[%add3A_225, %dma_start3A_228] : memref<65536x128xf32, #tpu.memory_space<hbm>> -> memref<256x128xf32, #tpu.memory_space<hbm>>
    tpu.enqueue_dma source(%dma_start3A_229 : memref<256x128xf32, #tpu.memory_space<hbm>>) target(%arg12 : memref<256x128xf32, #tpu.memory_space<vmem>>) target_semaphore(%arg24 : memref<!tpu.dma_semaphore, #tpu.memory_space<semaphore_mem>>)
    %add3A_230 = arith.constant 0 : i32
    %add3A_231 = arith.addi %add3A_225, %add3A_230 : i32
    %dma_start3A_232 = tpu.memref_slice %arg3[%add3A_231] : memref<65536xi32, #tpu.memory_space<hbm>> -> memref<128xi32, #tpu.memory_space<hbm>>
    %dma_start3A_233 = tpu.memref_slice %arg3[%add3A_231] : memref<65536xi32, #tpu.memory_space<hbm>> -> memref<128xi32, #tpu.memory_space<hbm>>
    tpu.enqueue_dma source(%dma_start3A_233 : memref<128xi32, #tpu.memory_space<hbm>>) target(%arg14 : memref<128xi32, #tpu.memory_space<vmem>>) target_semaphore(%arg26 : memref<!tpu.dma_semaphore, #tpu.memory_space<semaphore_mem>>)
    %add3A_234 = arith.constant 128 : i32
    %add3A_235 = arith.addi %add3A_225, %add3A_234 : i32
    %dma_start3A_236 = tpu.memref_slice %arg3[%add3A_235] : memref<65536xi32, #tpu.memory_space<hbm>> -> memref<128xi32, #tpu.memory_space<hbm>>
    %dma_start3A_237 = tpu.memref_slice %arg3[%add3A_235] : memref<65536xi32, #tpu.memory_space<hbm>> -> memref<128xi32, #tpu.memory_space<hbm>>
    tpu.enqueue_dma source(%dma_start3A_237 : memref<128xi32, #tpu.memory_space<hbm>>) target(%arg15 : memref<128xi32, #tpu.memory_space<vmem>>) target_semaphore(%arg27 : memref<!tpu.dma_semaphore, #tpu.memory_space<semaphore_mem>>)
    %dma_wait3A_238 = arith.constant 0 : i32
    %dma_wait3A_239 = tpu.memref_slice %arg2[%add3A_225, %dma_wait3A_238] : memref<65536x128xf32, #tpu.memory_space<hbm>> -> memref<256x128xf32, #tpu.memory_space<hbm>>
    %dma_wait3A_240 = arith.constant 0 : i32
    %dma_wait3A_241 = tpu.memref_slice %arg2[%add3A_225, %dma_wait3A_240] : memref<65536x128xf32, #tpu.memory_space<hbm>> -> memref<256x128xf32, #tpu.memory_space<hbm>>
    tpu.wait_dma2 semaphore(%arg24 : memref<!tpu.dma_semaphore, #tpu.memory_space<semaphore_mem>>) src(%dma_wait3A_241 : memref<256x128xf32, #tpu.memory_space<hbm>>) dst(%arg12 : memref<256x128xf32, #tpu.memory_space<vmem>>)
    %dma_wait3A_242 = tpu.memref_slice %arg3[%add3A_231] : memref<65536xi32, #tpu.memory_space<hbm>> -> memref<128xi32, #tpu.memory_space<hbm>>
    %dma_wait3A_243 = tpu.memref_slice %arg3[%add3A_231] : memref<65536xi32, #tpu.memory_space<hbm>> -> memref<128xi32, #tpu.memory_space<hbm>>
    tpu.wait_dma2 semaphore(%arg26 : memref<!tpu.dma_semaphore, #tpu.memory_space<semaphore_mem>>) src(%dma_wait3A_243 : memref<128xi32, #tpu.memory_space<hbm>>) dst(%arg14 : memref<128xi32, #tpu.memory_space<vmem>>)
    %dma_wait3A_244 = tpu.memref_slice %arg3[%add3A_235] : memref<65536xi32, #tpu.memory_space<hbm>> -> memref<128xi32, #tpu.memory_space<hbm>>
    %dma_wait3A_245 = tpu.memref_slice %arg3[%add3A_235] : memref<65536xi32, #tpu.memory_space<hbm>> -> memref<128xi32, #tpu.memory_space<hbm>>
    tpu.wait_dma2 semaphore(%arg27 : memref<!tpu.dma_semaphore, #tpu.memory_space<semaphore_mem>>) src(%dma_wait3A_245 : memref<128xi32, #tpu.memory_space<hbm>>) dst(%arg15 : memref<128xi32, #tpu.memory_space<vmem>>)
    %dma_start3A_246 = arith.constant 0 : i32
    %dma_start3A_247 = arith.constant 0 : i32
    %dma_start3A_248 = tpu.memref_slice %arg12[%dma_start3A_246, %dma_start3A_247] : memref<256x128xf32, #tpu.memory_space<vmem>> -> memref<128x128xf32, #tpu.memory_space<vmem>>
    %dma_start3A_249 = arith.constant 0 : i32
    %dma_start3A_250 = arith.constant 0 : i32
    %dma_start3A_251 = tpu.memref_slice %arg19[%dma_start3A_249, %dma_start3A_250] : memref<32x128xf32, #tpu.memory_space<vmem_shared>> -> memref<32x128xf32, #tpu.memory_space<vmem_shared>>
    tpu.enqueue_indirect_dma source(%dma_start3A_248 : memref<128x128xf32, #tpu.memory_space<vmem>>) target(%dma_start3A_251 : memref<32x128xf32, #tpu.memory_space<vmem_shared>>) offsets(%arg14 : memref<128xi32, #tpu.memory_space<vmem>>) semaphore(%arg31 : memref<!tpu.dma_semaphore, #tpu.memory_space<semaphore_mem>>) {add = true}
    %dma_start3A_252 = arith.constant 0 : i32
    %dma_start3A_253 = arith.constant 0 : i32
    %dma_start3A_254 = tpu.memref_slice %arg20[%dma_start3A_252, %dma_start3A_253] : memref<32x16xf32, #tpu.memory_space<vmem_shared>> -> memref<32x16xf32, #tpu.memory_space<vmem_shared>>
    tpu.enqueue_indirect_dma source(%arg18 : memref<128x16xf32, #tpu.memory_space<vmem>>) target(%dma_start3A_254 : memref<32x16xf32, #tpu.memory_space<vmem_shared>>) offsets(%arg14 : memref<128xi32, #tpu.memory_space<vmem>>) semaphore(%arg31 : memref<!tpu.dma_semaphore, #tpu.memory_space<semaphore_mem>>) {add = true}
    %dma_start3A_255 = arith.constant 128 : i32
    %dma_start3A_256 = arith.constant 0 : i32
    %dma_start3A_257 = tpu.memref_slice %arg12[%dma_start3A_255, %dma_start3A_256] : memref<256x128xf32, #tpu.memory_space<vmem>> -> memref<128x128xf32, #tpu.memory_space<vmem>>
    %dma_start3A_258 = arith.constant 0 : i32
    %dma_start3A_259 = arith.constant 0 : i32
    %dma_start3A_260 = tpu.memref_slice %arg19[%dma_start3A_258, %dma_start3A_259] : memref<32x128xf32, #tpu.memory_space<vmem_shared>> -> memref<32x128xf32, #tpu.memory_space<vmem_shared>>
    tpu.enqueue_indirect_dma source(%dma_start3A_257 : memref<128x128xf32, #tpu.memory_space<vmem>>) target(%dma_start3A_260 : memref<32x128xf32, #tpu.memory_space<vmem_shared>>) offsets(%arg15 : memref<128xi32, #tpu.memory_space<vmem>>) semaphore(%arg31 : memref<!tpu.dma_semaphore, #tpu.memory_space<semaphore_mem>>) {add = true}
    %dma_start3A_261 = arith.constant 0 : i32
    %dma_start3A_262 = arith.constant 0 : i32
    %dma_start3A_263 = tpu.memref_slice %arg20[%dma_start3A_261, %dma_start3A_262] : memref<32x16xf32, #tpu.memory_space<vmem_shared>> -> memref<32x16xf32, #tpu.memory_space<vmem_shared>>
    tpu.enqueue_indirect_dma source(%arg18 : memref<128x16xf32, #tpu.memory_space<vmem>>) target(%dma_start3A_263 : memref<32x16xf32, #tpu.memory_space<vmem_shared>>) offsets(%arg15 : memref<128xi32, #tpu.memory_space<vmem>>) semaphore(%arg31 : memref<!tpu.dma_semaphore, #tpu.memory_space<semaphore_mem>>) {add = true}
    %dma_wait3A_264 = arith.constant 0 : i32
    %dma_wait3A_265 = arith.constant 0 : i32
    %dma_wait3A_266 = tpu.memref_slice %arg13[%dma_wait3A_264, %dma_wait3A_265] : memref<256x128xf32, #tpu.memory_space<vmem>> -> memref<128x128xf32, #tpu.memory_space<vmem>>
    %dma_wait3A_267 = arith.constant 0 : i32
    %dma_wait3A_268 = arith.constant 0 : i32
    %dma_wait3A_269 = tpu.memref_slice %arg19[%dma_wait3A_267, %dma_wait3A_268] : memref<32x128xf32, #tpu.memory_space<vmem_shared>> -> memref<32x128xf32, #tpu.memory_space<vmem_shared>>
    tpu.wait_indirect_dma semaphore(%arg32 : memref<!tpu.dma_semaphore, #tpu.memory_space<semaphore_mem>>) src(%dma_wait3A_266 : memref<128x128xf32, #tpu.memory_space<vmem>>) dst(%dma_wait3A_269 : memref<32x128xf32, #tpu.memory_space<vmem_shared>>)
    %dma_wait3A_270 = arith.constant 0 : i32
    %dma_wait3A_271 = arith.constant 0 : i32
    %dma_wait3A_272 = tpu.memref_slice %arg20[%dma_wait3A_270, %dma_wait3A_271] : memref<32x16xf32, #tpu.memory_space<vmem_shared>> -> memref<32x16xf32, #tpu.memory_space<vmem_shared>>
    tpu.wait_indirect_dma semaphore(%arg32 : memref<!tpu.dma_semaphore, #tpu.memory_space<semaphore_mem>>) src(%arg18 : memref<128x16xf32, #tpu.memory_space<vmem>>) dst(%dma_wait3A_272 : memref<32x16xf32, #tpu.memory_space<vmem_shared>>)
    %dma_wait3A_273 = arith.constant 128 : i32
    %dma_wait3A_274 = arith.constant 0 : i32
    %dma_wait3A_275 = tpu.memref_slice %arg13[%dma_wait3A_273, %dma_wait3A_274] : memref<256x128xf32, #tpu.memory_space<vmem>> -> memref<128x128xf32, #tpu.memory_space<vmem>>
    %dma_wait3A_276 = arith.constant 0 : i32
    %dma_wait3A_277 = arith.constant 0 : i32
    %dma_wait3A_278 = tpu.memref_slice %arg19[%dma_wait3A_276, %dma_wait3A_277] : memref<32x128xf32, #tpu.memory_space<vmem_shared>> -> memref<32x128xf32, #tpu.memory_space<vmem_shared>>
    tpu.wait_indirect_dma semaphore(%arg32 : memref<!tpu.dma_semaphore, #tpu.memory_space<semaphore_mem>>) src(%dma_wait3A_275 : memref<128x128xf32, #tpu.memory_space<vmem>>) dst(%dma_wait3A_278 : memref<32x128xf32, #tpu.memory_space<vmem_shared>>)
    %dma_wait3A_279 = arith.constant 0 : i32
    %dma_wait3A_280 = arith.constant 0 : i32
    %dma_wait3A_281 = tpu.memref_slice %arg20[%dma_wait3A_279, %dma_wait3A_280] : memref<32x16xf32, #tpu.memory_space<vmem_shared>> -> memref<32x16xf32, #tpu.memory_space<vmem_shared>>
    tpu.wait_indirect_dma semaphore(%arg32 : memref<!tpu.dma_semaphore, #tpu.memory_space<semaphore_mem>>) src(%arg18 : memref<128x16xf32, #tpu.memory_space<vmem>>) dst(%dma_wait3A_281 : memref<32x16xf32, #tpu.memory_space<vmem_shared>>)
    %add3A_282 = arith.constant 1280 : i32
    %add3A_283 = arith.addi %mul3A_2, %add3A_282 : i32
    %dma_start3A_284 = arith.constant 0 : i32
    %dma_start3A_285 = tpu.memref_slice %arg2[%add3A_283, %dma_start3A_284] : memref<65536x128xf32, #tpu.memory_space<hbm>> -> memref<256x128xf32, #tpu.memory_space<hbm>>
    %dma_start3A_286 = arith.constant 0 : i32
    %dma_start3A_287 = tpu.memref_slice %arg2[%add3A_283, %dma_start3A_286] : memref<65536x128xf32, #tpu.memory_space<hbm>> -> memref<256x128xf32, #tpu.memory_space<hbm>>
    tpu.enqueue_dma source(%dma_start3A_287 : memref<256x128xf32, #tpu.memory_space<hbm>>) target(%arg13 : memref<256x128xf32, #tpu.memory_space<vmem>>) target_semaphore(%arg25 : memref<!tpu.dma_semaphore, #tpu.memory_space<semaphore_mem>>)
    %add3A_288 = arith.constant 0 : i32
    %add3A_289 = arith.addi %add3A_283, %add3A_288 : i32
    %dma_start3A_290 = tpu.memref_slice %arg3[%add3A_289] : memref<65536xi32, #tpu.memory_space<hbm>> -> memref<128xi32, #tpu.memory_space<hbm>>
    %dma_start3A_291 = tpu.memref_slice %arg3[%add3A_289] : memref<65536xi32, #tpu.memory_space<hbm>> -> memref<128xi32, #tpu.memory_space<hbm>>
    tpu.enqueue_dma source(%dma_start3A_291 : memref<128xi32, #tpu.memory_space<hbm>>) target(%arg16 : memref<128xi32, #tpu.memory_space<vmem>>) target_semaphore(%arg28 : memref<!tpu.dma_semaphore, #tpu.memory_space<semaphore_mem>>)
    %add3A_292 = arith.constant 128 : i32
    %add3A_293 = arith.addi %add3A_283, %add3A_292 : i32
    %dma_start3A_294 = tpu.memref_slice %arg3[%add3A_293] : memref<65536xi32, #tpu.memory_space<hbm>> -> memref<128xi32, #tpu.memory_space<hbm>>
    %dma_start3A_295 = tpu.memref_slice %arg3[%add3A_293] : memref<65536xi32, #tpu.memory_space<hbm>> -> memref<128xi32, #tpu.memory_space<hbm>>
    tpu.enqueue_dma source(%dma_start3A_295 : memref<128xi32, #tpu.memory_space<hbm>>) target(%arg17 : memref<128xi32, #tpu.memory_space<vmem>>) target_semaphore(%arg29 : memref<!tpu.dma_semaphore, #tpu.memory_space<semaphore_mem>>)
    %dma_wait3A_296 = arith.constant 0 : i32
    %dma_wait3A_297 = tpu.memref_slice %arg2[%add3A_283, %dma_wait3A_296] : memref<65536x128xf32, #tpu.memory_space<hbm>> -> memref<256x128xf32, #tpu.memory_space<hbm>>
    %dma_wait3A_298 = arith.constant 0 : i32
    %dma_wait3A_299 = tpu.memref_slice %arg2[%add3A_283, %dma_wait3A_298] : memref<65536x128xf32, #tpu.memory_space<hbm>> -> memref<256x128xf32, #tpu.memory_space<hbm>>
    tpu.wait_dma2 semaphore(%arg25 : memref<!tpu.dma_semaphore, #tpu.memory_space<semaphore_mem>>) src(%dma_wait3A_299 : memref<256x128xf32, #tpu.memory_space<hbm>>) dst(%arg13 : memref<256x128xf32, #tpu.memory_space<vmem>>)
    %dma_wait3A_300 = tpu.memref_slice %arg3[%add3A_289] : memref<65536xi32, #tpu.memory_space<hbm>> -> memref<128xi32, #tpu.memory_space<hbm>>
    %dma_wait3A_301 = tpu.memref_slice %arg3[%add3A_289] : memref<65536xi32, #tpu.memory_space<hbm>> -> memref<128xi32, #tpu.memory_space<hbm>>
    tpu.wait_dma2 semaphore(%arg28 : memref<!tpu.dma_semaphore, #tpu.memory_space<semaphore_mem>>) src(%dma_wait3A_301 : memref<128xi32, #tpu.memory_space<hbm>>) dst(%arg16 : memref<128xi32, #tpu.memory_space<vmem>>)
    %dma_wait3A_302 = tpu.memref_slice %arg3[%add3A_293] : memref<65536xi32, #tpu.memory_space<hbm>> -> memref<128xi32, #tpu.memory_space<hbm>>
    %dma_wait3A_303 = tpu.memref_slice %arg3[%add3A_293] : memref<65536xi32, #tpu.memory_space<hbm>> -> memref<128xi32, #tpu.memory_space<hbm>>
    tpu.wait_dma2 semaphore(%arg29 : memref<!tpu.dma_semaphore, #tpu.memory_space<semaphore_mem>>) src(%dma_wait3A_303 : memref<128xi32, #tpu.memory_space<hbm>>) dst(%arg17 : memref<128xi32, #tpu.memory_space<vmem>>)
    %dma_start3A_304 = arith.constant 0 : i32
    %dma_start3A_305 = arith.constant 0 : i32
    %dma_start3A_306 = tpu.memref_slice %arg13[%dma_start3A_304, %dma_start3A_305] : memref<256x128xf32, #tpu.memory_space<vmem>> -> memref<128x128xf32, #tpu.memory_space<vmem>>
    %dma_start3A_307 = arith.constant 0 : i32
    %dma_start3A_308 = arith.constant 0 : i32
    %dma_start3A_309 = tpu.memref_slice %arg19[%dma_start3A_307, %dma_start3A_308] : memref<32x128xf32, #tpu.memory_space<vmem_shared>> -> memref<32x128xf32, #tpu.memory_space<vmem_shared>>
    tpu.enqueue_indirect_dma source(%dma_start3A_306 : memref<128x128xf32, #tpu.memory_space<vmem>>) target(%dma_start3A_309 : memref<32x128xf32, #tpu.memory_space<vmem_shared>>) offsets(%arg16 : memref<128xi32, #tpu.memory_space<vmem>>) semaphore(%arg32 : memref<!tpu.dma_semaphore, #tpu.memory_space<semaphore_mem>>) {add = true}
    %dma_start3A_310 = arith.constant 0 : i32
    %dma_start3A_311 = arith.constant 0 : i32
    %dma_start3A_312 = tpu.memref_slice %arg20[%dma_start3A_310, %dma_start3A_311] : memref<32x16xf32, #tpu.memory_space<vmem_shared>> -> memref<32x16xf32, #tpu.memory_space<vmem_shared>>
    tpu.enqueue_indirect_dma source(%arg18 : memref<128x16xf32, #tpu.memory_space<vmem>>) target(%dma_start3A_312 : memref<32x16xf32, #tpu.memory_space<vmem_shared>>) offsets(%arg16 : memref<128xi32, #tpu.memory_space<vmem>>) semaphore(%arg32 : memref<!tpu.dma_semaphore, #tpu.memory_space<semaphore_mem>>) {add = true}
    %dma_start3A_313 = arith.constant 128 : i32
    %dma_start3A_314 = arith.constant 0 : i32
    %dma_start3A_315 = tpu.memref_slice %arg13[%dma_start3A_313, %dma_start3A_314] : memref<256x128xf32, #tpu.memory_space<vmem>> -> memref<128x128xf32, #tpu.memory_space<vmem>>
    %dma_start3A_316 = arith.constant 0 : i32
    %dma_start3A_317 = arith.constant 0 : i32
    %dma_start3A_318 = tpu.memref_slice %arg19[%dma_start3A_316, %dma_start3A_317] : memref<32x128xf32, #tpu.memory_space<vmem_shared>> -> memref<32x128xf32, #tpu.memory_space<vmem_shared>>
    tpu.enqueue_indirect_dma source(%dma_start3A_315 : memref<128x128xf32, #tpu.memory_space<vmem>>) target(%dma_start3A_318 : memref<32x128xf32, #tpu.memory_space<vmem_shared>>) offsets(%arg17 : memref<128xi32, #tpu.memory_space<vmem>>) semaphore(%arg32 : memref<!tpu.dma_semaphore, #tpu.memory_space<semaphore_mem>>) {add = true}
    %dma_start3A_319 = arith.constant 0 : i32
    %dma_start3A_320 = arith.constant 0 : i32
    %dma_start3A_321 = tpu.memref_slice %arg20[%dma_start3A_319, %dma_start3A_320] : memref<32x16xf32, #tpu.memory_space<vmem_shared>> -> memref<32x16xf32, #tpu.memory_space<vmem_shared>>
    tpu.enqueue_indirect_dma source(%arg18 : memref<128x16xf32, #tpu.memory_space<vmem>>) target(%dma_start3A_321 : memref<32x16xf32, #tpu.memory_space<vmem_shared>>) offsets(%arg17 : memref<128xi32, #tpu.memory_space<vmem>>) semaphore(%arg32 : memref<!tpu.dma_semaphore, #tpu.memory_space<semaphore_mem>>) {add = true}
    %dma_wait3A_322 = arith.constant 0 : i32
    %dma_wait3A_323 = arith.constant 0 : i32
    %dma_wait3A_324 = tpu.memref_slice %arg12[%dma_wait3A_322, %dma_wait3A_323] : memref<256x128xf32, #tpu.memory_space<vmem>> -> memref<128x128xf32, #tpu.memory_space<vmem>>
    %dma_wait3A_325 = arith.constant 0 : i32
    %dma_wait3A_326 = arith.constant 0 : i32
    %dma_wait3A_327 = tpu.memref_slice %arg19[%dma_wait3A_325, %dma_wait3A_326] : memref<32x128xf32, #tpu.memory_space<vmem_shared>> -> memref<32x128xf32, #tpu.memory_space<vmem_shared>>
    tpu.wait_indirect_dma semaphore(%arg31 : memref<!tpu.dma_semaphore, #tpu.memory_space<semaphore_mem>>) src(%dma_wait3A_324 : memref<128x128xf32, #tpu.memory_space<vmem>>) dst(%dma_wait3A_327 : memref<32x128xf32, #tpu.memory_space<vmem_shared>>)
    %dma_wait3A_328 = arith.constant 0 : i32
    %dma_wait3A_329 = arith.constant 0 : i32
    %dma_wait3A_330 = tpu.memref_slice %arg20[%dma_wait3A_328, %dma_wait3A_329] : memref<32x16xf32, #tpu.memory_space<vmem_shared>> -> memref<32x16xf32, #tpu.memory_space<vmem_shared>>
    tpu.wait_indirect_dma semaphore(%arg31 : memref<!tpu.dma_semaphore, #tpu.memory_space<semaphore_mem>>) src(%arg18 : memref<128x16xf32, #tpu.memory_space<vmem>>) dst(%dma_wait3A_330 : memref<32x16xf32, #tpu.memory_space<vmem_shared>>)
    %dma_wait3A_331 = arith.constant 128 : i32
    %dma_wait3A_332 = arith.constant 0 : i32
    %dma_wait3A_333 = tpu.memref_slice %arg12[%dma_wait3A_331, %dma_wait3A_332] : memref<256x128xf32, #tpu.memory_space<vmem>> -> memref<128x128xf32, #tpu.memory_space<vmem>>
    %dma_wait3A_334 = arith.constant 0 : i32
    %dma_wait3A_335 = arith.constant 0 : i32
    %dma_wait3A_336 = tpu.memref_slice %arg19[%dma_wait3A_334, %dma_wait3A_335] : memref<32x128xf32, #tpu.memory_space<vmem_shared>> -> memref<32x128xf32, #tpu.memory_space<vmem_shared>>
    tpu.wait_indirect_dma semaphore(%arg31 : memref<!tpu.dma_semaphore, #tpu.memory_space<semaphore_mem>>) src(%dma_wait3A_333 : memref<128x128xf32, #tpu.memory_space<vmem>>) dst(%dma_wait3A_336 : memref<32x128xf32, #tpu.memory_space<vmem_shared>>)
    %dma_wait3A_337 = arith.constant 0 : i32
    %dma_wait3A_338 = arith.constant 0 : i32
    %dma_wait3A_339 = tpu.memref_slice %arg20[%dma_wait3A_337, %dma_wait3A_338] : memref<32x16xf32, #tpu.memory_space<vmem_shared>> -> memref<32x16xf32, #tpu.memory_space<vmem_shared>>
    tpu.wait_indirect_dma semaphore(%arg31 : memref<!tpu.dma_semaphore, #tpu.memory_space<semaphore_mem>>) src(%arg18 : memref<128x16xf32, #tpu.memory_space<vmem>>) dst(%dma_wait3A_339 : memref<32x16xf32, #tpu.memory_space<vmem_shared>>)
    %add3A_340 = arith.constant 1536 : i32
    %add3A_341 = arith.addi %mul3A_2, %add3A_340 : i32
    %dma_start3A_342 = arith.constant 0 : i32
    %dma_start3A_343 = tpu.memref_slice %arg2[%add3A_341, %dma_start3A_342] : memref<65536x128xf32, #tpu.memory_space<hbm>> -> memref<256x128xf32, #tpu.memory_space<hbm>>
    %dma_start3A_344 = arith.constant 0 : i32
    %dma_start3A_345 = tpu.memref_slice %arg2[%add3A_341, %dma_start3A_344] : memref<65536x128xf32, #tpu.memory_space<hbm>> -> memref<256x128xf32, #tpu.memory_space<hbm>>
    tpu.enqueue_dma source(%dma_start3A_345 : memref<256x128xf32, #tpu.memory_space<hbm>>) target(%arg12 : memref<256x128xf32, #tpu.memory_space<vmem>>) target_semaphore(%arg24 : memref<!tpu.dma_semaphore, #tpu.memory_space<semaphore_mem>>)
    %add3A_346 = arith.constant 0 : i32
    %add3A_347 = arith.addi %add3A_341, %add3A_346 : i32
    %dma_start3A_348 = tpu.memref_slice %arg3[%add3A_347] : memref<65536xi32, #tpu.memory_space<hbm>> -> memref<128xi32, #tpu.memory_space<hbm>>
    %dma_start3A_349 = tpu.memref_slice %arg3[%add3A_347] : memref<65536xi32, #tpu.memory_space<hbm>> -> memref<128xi32, #tpu.memory_space<hbm>>
    tpu.enqueue_dma source(%dma_start3A_349 : memref<128xi32, #tpu.memory_space<hbm>>) target(%arg14 : memref<128xi32, #tpu.memory_space<vmem>>) target_semaphore(%arg26 : memref<!tpu.dma_semaphore, #tpu.memory_space<semaphore_mem>>)
    %add3A_350 = arith.constant 128 : i32
    %add3A_351 = arith.addi %add3A_341, %add3A_350 : i32
    %dma_start3A_352 = tpu.memref_slice %arg3[%add3A_351] : memref<65536xi32, #tpu.memory_space<hbm>> -> memref<128xi32, #tpu.memory_space<hbm>>
    %dma_start3A_353 = tpu.memref_slice %arg3[%add3A_351] : memref<65536xi32, #tpu.memory_space<hbm>> -> memref<128xi32, #tpu.memory_space<hbm>>
    tpu.enqueue_dma source(%dma_start3A_353 : memref<128xi32, #tpu.memory_space<hbm>>) target(%arg15 : memref<128xi32, #tpu.memory_space<vmem>>) target_semaphore(%arg27 : memref<!tpu.dma_semaphore, #tpu.memory_space<semaphore_mem>>)
    %dma_wait3A_354 = arith.constant 0 : i32
    %dma_wait3A_355 = tpu.memref_slice %arg2[%add3A_341, %dma_wait3A_354] : memref<65536x128xf32, #tpu.memory_space<hbm>> -> memref<256x128xf32, #tpu.memory_space<hbm>>
    %dma_wait3A_356 = arith.constant 0 : i32
    %dma_wait3A_357 = tpu.memref_slice %arg2[%add3A_341, %dma_wait3A_356] : memref<65536x128xf32, #tpu.memory_space<hbm>> -> memref<256x128xf32, #tpu.memory_space<hbm>>
    tpu.wait_dma2 semaphore(%arg24 : memref<!tpu.dma_semaphore, #tpu.memory_space<semaphore_mem>>) src(%dma_wait3A_357 : memref<256x128xf32, #tpu.memory_space<hbm>>) dst(%arg12 : memref<256x128xf32, #tpu.memory_space<vmem>>)
    %dma_wait3A_358 = tpu.memref_slice %arg3[%add3A_347] : memref<65536xi32, #tpu.memory_space<hbm>> -> memref<128xi32, #tpu.memory_space<hbm>>
    %dma_wait3A_359 = tpu.memref_slice %arg3[%add3A_347] : memref<65536xi32, #tpu.memory_space<hbm>> -> memref<128xi32, #tpu.memory_space<hbm>>
    tpu.wait_dma2 semaphore(%arg26 : memref<!tpu.dma_semaphore, #tpu.memory_space<semaphore_mem>>) src(%dma_wait3A_359 : memref<128xi32, #tpu.memory_space<hbm>>) dst(%arg14 : memref<128xi32, #tpu.memory_space<vmem>>)
    %dma_wait3A_360 = tpu.memref_slice %arg3[%add3A_351] : memref<65536xi32, #tpu.memory_space<hbm>> -> memref<128xi32, #tpu.memory_space<hbm>>
    %dma_wait3A_361 = tpu.memref_slice %arg3[%add3A_351] : memref<65536xi32, #tpu.memory_space<hbm>> -> memref<128xi32, #tpu.memory_space<hbm>>
    tpu.wait_dma2 semaphore(%arg27 : memref<!tpu.dma_semaphore, #tpu.memory_space<semaphore_mem>>) src(%dma_wait3A_361 : memref<128xi32, #tpu.memory_space<hbm>>) dst(%arg15 : memref<128xi32, #tpu.memory_space<vmem>>)
    %dma_start3A_362 = arith.constant 0 : i32
    %dma_start3A_363 = arith.constant 0 : i32
    %dma_start3A_364 = tpu.memref_slice %arg12[%dma_start3A_362, %dma_start3A_363] : memref<256x128xf32, #tpu.memory_space<vmem>> -> memref<128x128xf32, #tpu.memory_space<vmem>>
    %dma_start3A_365 = arith.constant 0 : i32
    %dma_start3A_366 = arith.constant 0 : i32
    %dma_start3A_367 = tpu.memref_slice %arg19[%dma_start3A_365, %dma_start3A_366] : memref<32x128xf32, #tpu.memory_space<vmem_shared>> -> memref<32x128xf32, #tpu.memory_space<vmem_shared>>
    tpu.enqueue_indirect_dma source(%dma_start3A_364 : memref<128x128xf32, #tpu.memory_space<vmem>>) target(%dma_start3A_367 : memref<32x128xf32, #tpu.memory_space<vmem_shared>>) offsets(%arg14 : memref<128xi32, #tpu.memory_space<vmem>>) semaphore(%arg31 : memref<!tpu.dma_semaphore, #tpu.memory_space<semaphore_mem>>) {add = true}
    %dma_start3A_368 = arith.constant 0 : i32
    %dma_start3A_369 = arith.constant 0 : i32
    %dma_start3A_370 = tpu.memref_slice %arg20[%dma_start3A_368, %dma_start3A_369] : memref<32x16xf32, #tpu.memory_space<vmem_shared>> -> memref<32x16xf32, #tpu.memory_space<vmem_shared>>
    tpu.enqueue_indirect_dma source(%arg18 : memref<128x16xf32, #tpu.memory_space<vmem>>) target(%dma_start3A_370 : memref<32x16xf32, #tpu.memory_space<vmem_shared>>) offsets(%arg14 : memref<128xi32, #tpu.memory_space<vmem>>) semaphore(%arg31 : memref<!tpu.dma_semaphore, #tpu.memory_space<semaphore_mem>>) {add = true}
    %dma_start3A_371 = arith.constant 128 : i32
    %dma_start3A_372 = arith.constant 0 : i32
    %dma_start3A_373 = tpu.memref_slice %arg12[%dma_start3A_371, %dma_start3A_372] : memref<256x128xf32, #tpu.memory_space<vmem>> -> memref<128x128xf32, #tpu.memory_space<vmem>>
    %dma_start3A_374 = arith.constant 0 : i32
    %dma_start3A_375 = arith.constant 0 : i32
    %dma_start3A_376 = tpu.memref_slice %arg19[%dma_start3A_374, %dma_start3A_375] : memref<32x128xf32, #tpu.memory_space<vmem_shared>> -> memref<32x128xf32, #tpu.memory_space<vmem_shared>>
    tpu.enqueue_indirect_dma source(%dma_start3A_373 : memref<128x128xf32, #tpu.memory_space<vmem>>) target(%dma_start3A_376 : memref<32x128xf32, #tpu.memory_space<vmem_shared>>) offsets(%arg15 : memref<128xi32, #tpu.memory_space<vmem>>) semaphore(%arg31 : memref<!tpu.dma_semaphore, #tpu.memory_space<semaphore_mem>>) {add = true}
    %dma_start3A_377 = arith.constant 0 : i32
    %dma_start3A_378 = arith.constant 0 : i32
    %dma_start3A_379 = tpu.memref_slice %arg20[%dma_start3A_377, %dma_start3A_378] : memref<32x16xf32, #tpu.memory_space<vmem_shared>> -> memref<32x16xf32, #tpu.memory_space<vmem_shared>>
    tpu.enqueue_indirect_dma source(%arg18 : memref<128x16xf32, #tpu.memory_space<vmem>>) target(%dma_start3A_379 : memref<32x16xf32, #tpu.memory_space<vmem_shared>>) offsets(%arg15 : memref<128xi32, #tpu.memory_space<vmem>>) semaphore(%arg31 : memref<!tpu.dma_semaphore, #tpu.memory_space<semaphore_mem>>) {add = true}
    %dma_wait3A_380 = arith.constant 0 : i32
    %dma_wait3A_381 = arith.constant 0 : i32
    %dma_wait3A_382 = tpu.memref_slice %arg13[%dma_wait3A_380, %dma_wait3A_381] : memref<256x128xf32, #tpu.memory_space<vmem>> -> memref<128x128xf32, #tpu.memory_space<vmem>>
    %dma_wait3A_383 = arith.constant 0 : i32
    %dma_wait3A_384 = arith.constant 0 : i32
    %dma_wait3A_385 = tpu.memref_slice %arg19[%dma_wait3A_383, %dma_wait3A_384] : memref<32x128xf32, #tpu.memory_space<vmem_shared>> -> memref<32x128xf32, #tpu.memory_space<vmem_shared>>
    tpu.wait_indirect_dma semaphore(%arg32 : memref<!tpu.dma_semaphore, #tpu.memory_space<semaphore_mem>>) src(%dma_wait3A_382 : memref<128x128xf32, #tpu.memory_space<vmem>>) dst(%dma_wait3A_385 : memref<32x128xf32, #tpu.memory_space<vmem_shared>>)
    %dma_wait3A_386 = arith.constant 0 : i32
    %dma_wait3A_387 = arith.constant 0 : i32
    %dma_wait3A_388 = tpu.memref_slice %arg20[%dma_wait3A_386, %dma_wait3A_387] : memref<32x16xf32, #tpu.memory_space<vmem_shared>> -> memref<32x16xf32, #tpu.memory_space<vmem_shared>>
    tpu.wait_indirect_dma semaphore(%arg32 : memref<!tpu.dma_semaphore, #tpu.memory_space<semaphore_mem>>) src(%arg18 : memref<128x16xf32, #tpu.memory_space<vmem>>) dst(%dma_wait3A_388 : memref<32x16xf32, #tpu.memory_space<vmem_shared>>)
    %dma_wait3A_389 = arith.constant 128 : i32
    %dma_wait3A_390 = arith.constant 0 : i32
    %dma_wait3A_391 = tpu.memref_slice %arg13[%dma_wait3A_389, %dma_wait3A_390] : memref<256x128xf32, #tpu.memory_space<vmem>> -> memref<128x128xf32, #tpu.memory_space<vmem>>
    %dma_wait3A_392 = arith.constant 0 : i32
    %dma_wait3A_393 = arith.constant 0 : i32
    %dma_wait3A_394 = tpu.memref_slice %arg19[%dma_wait3A_392, %dma_wait3A_393] : memref<32x128xf32, #tpu.memory_space<vmem_shared>> -> memref<32x128xf32, #tpu.memory_space<vmem_shared>>
    tpu.wait_indirect_dma semaphore(%arg32 : memref<!tpu.dma_semaphore, #tpu.memory_space<semaphore_mem>>) src(%dma_wait3A_391 : memref<128x128xf32, #tpu.memory_space<vmem>>) dst(%dma_wait3A_394 : memref<32x128xf32, #tpu.memory_space<vmem_shared>>)
    %dma_wait3A_395 = arith.constant 0 : i32
    %dma_wait3A_396 = arith.constant 0 : i32
    %dma_wait3A_397 = tpu.memref_slice %arg20[%dma_wait3A_395, %dma_wait3A_396] : memref<32x16xf32, #tpu.memory_space<vmem_shared>> -> memref<32x16xf32, #tpu.memory_space<vmem_shared>>
    tpu.wait_indirect_dma semaphore(%arg32 : memref<!tpu.dma_semaphore, #tpu.memory_space<semaphore_mem>>) src(%arg18 : memref<128x16xf32, #tpu.memory_space<vmem>>) dst(%dma_wait3A_397 : memref<32x16xf32, #tpu.memory_space<vmem_shared>>)
    %add3A_398 = arith.constant 1792 : i32
    %add3A_399 = arith.addi %mul3A_2, %add3A_398 : i32
    %dma_start3A_400 = arith.constant 0 : i32
    %dma_start3A_401 = tpu.memref_slice %arg2[%add3A_399, %dma_start3A_400] : memref<65536x128xf32, #tpu.memory_space<hbm>> -> memref<256x128xf32, #tpu.memory_space<hbm>>
    %dma_start3A_402 = arith.constant 0 : i32
    %dma_start3A_403 = tpu.memref_slice %arg2[%add3A_399, %dma_start3A_402] : memref<65536x128xf32, #tpu.memory_space<hbm>> -> memref<256x128xf32, #tpu.memory_space<hbm>>
    tpu.enqueue_dma source(%dma_start3A_403 : memref<256x128xf32, #tpu.memory_space<hbm>>) target(%arg13 : memref<256x128xf32, #tpu.memory_space<vmem>>) target_semaphore(%arg25 : memref<!tpu.dma_semaphore, #tpu.memory_space<semaphore_mem>>)
    %add3A_404 = arith.constant 0 : i32
    %add3A_405 = arith.addi %add3A_399, %add3A_404 : i32
    %dma_start3A_406 = tpu.memref_slice %arg3[%add3A_405] : memref<65536xi32, #tpu.memory_space<hbm>> -> memref<128xi32, #tpu.memory_space<hbm>>
    %dma_start3A_407 = tpu.memref_slice %arg3[%add3A_405] : memref<65536xi32, #tpu.memory_space<hbm>> -> memref<128xi32, #tpu.memory_space<hbm>>
    tpu.enqueue_dma source(%dma_start3A_407 : memref<128xi32, #tpu.memory_space<hbm>>) target(%arg16 : memref<128xi32, #tpu.memory_space<vmem>>) target_semaphore(%arg28 : memref<!tpu.dma_semaphore, #tpu.memory_space<semaphore_mem>>)
    %add3A_408 = arith.constant 128 : i32
    %add3A_409 = arith.addi %add3A_399, %add3A_408 : i32
    %dma_start3A_410 = tpu.memref_slice %arg3[%add3A_409] : memref<65536xi32, #tpu.memory_space<hbm>> -> memref<128xi32, #tpu.memory_space<hbm>>
    %dma_start3A_411 = tpu.memref_slice %arg3[%add3A_409] : memref<65536xi32, #tpu.memory_space<hbm>> -> memref<128xi32, #tpu.memory_space<hbm>>
    tpu.enqueue_dma source(%dma_start3A_411 : memref<128xi32, #tpu.memory_space<hbm>>) target(%arg17 : memref<128xi32, #tpu.memory_space<vmem>>) target_semaphore(%arg29 : memref<!tpu.dma_semaphore, #tpu.memory_space<semaphore_mem>>)
    %dma_wait3A_412 = arith.constant 0 : i32
    %dma_wait3A_413 = tpu.memref_slice %arg2[%add3A_399, %dma_wait3A_412] : memref<65536x128xf32, #tpu.memory_space<hbm>> -> memref<256x128xf32, #tpu.memory_space<hbm>>
    %dma_wait3A_414 = arith.constant 0 : i32
    %dma_wait3A_415 = tpu.memref_slice %arg2[%add3A_399, %dma_wait3A_414] : memref<65536x128xf32, #tpu.memory_space<hbm>> -> memref<256x128xf32, #tpu.memory_space<hbm>>
    tpu.wait_dma2 semaphore(%arg25 : memref<!tpu.dma_semaphore, #tpu.memory_space<semaphore_mem>>) src(%dma_wait3A_415 : memref<256x128xf32, #tpu.memory_space<hbm>>) dst(%arg13 : memref<256x128xf32, #tpu.memory_space<vmem>>)
    %dma_wait3A_416 = tpu.memref_slice %arg3[%add3A_405] : memref<65536xi32, #tpu.memory_space<hbm>> -> memref<128xi32, #tpu.memory_space<hbm>>
    %dma_wait3A_417 = tpu.memref_slice %arg3[%add3A_405] : memref<65536xi32, #tpu.memory_space<hbm>> -> memref<128xi32, #tpu.memory_space<hbm>>
    tpu.wait_dma2 semaphore(%arg28 : memref<!tpu.dma_semaphore, #tpu.memory_space<semaphore_mem>>) src(%dma_wait3A_417 : memref<128xi32, #tpu.memory_space<hbm>>) dst(%arg16 : memref<128xi32, #tpu.memory_space<vmem>>)
    %dma_wait3A_418 = tpu.memref_slice %arg3[%add3A_409] : memref<65536xi32, #tpu.memory_space<hbm>> -> memref<128xi32, #tpu.memory_space<hbm>>
    %dma_wait3A_419 = tpu.memref_slice %arg3[%add3A_409] : memref<65536xi32, #tpu.memory_space<hbm>> -> memref<128xi32, #tpu.memory_space<hbm>>
    tpu.wait_dma2 semaphore(%arg29 : memref<!tpu.dma_semaphore, #tpu.memory_space<semaphore_mem>>) src(%dma_wait3A_419 : memref<128xi32, #tpu.memory_space<hbm>>) dst(%arg17 : memref<128xi32, #tpu.memory_space<vmem>>)
    %dma_start3A_420 = arith.constant 0 : i32
    %dma_start3A_421 = arith.constant 0 : i32
    %dma_start3A_422 = tpu.memref_slice %arg13[%dma_start3A_420, %dma_start3A_421] : memref<256x128xf32, #tpu.memory_space<vmem>> -> memref<128x128xf32, #tpu.memory_space<vmem>>
    %dma_start3A_423 = arith.constant 0 : i32
    %dma_start3A_424 = arith.constant 0 : i32
    %dma_start3A_425 = tpu.memref_slice %arg19[%dma_start3A_423, %dma_start3A_424] : memref<32x128xf32, #tpu.memory_space<vmem_shared>> -> memref<32x128xf32, #tpu.memory_space<vmem_shared>>
    tpu.enqueue_indirect_dma source(%dma_start3A_422 : memref<128x128xf32, #tpu.memory_space<vmem>>) target(%dma_start3A_425 : memref<32x128xf32, #tpu.memory_space<vmem_shared>>) offsets(%arg16 : memref<128xi32, #tpu.memory_space<vmem>>) semaphore(%arg32 : memref<!tpu.dma_semaphore, #tpu.memory_space<semaphore_mem>>) {add = true}
    %dma_start3A_426 = arith.constant 0 : i32
    %dma_start3A_427 = arith.constant 0 : i32
    %dma_start3A_428 = tpu.memref_slice %arg20[%dma_start3A_426, %dma_start3A_427] : memref<32x16xf32, #tpu.memory_space<vmem_shared>> -> memref<32x16xf32, #tpu.memory_space<vmem_shared>>
    tpu.enqueue_indirect_dma source(%arg18 : memref<128x16xf32, #tpu.memory_space<vmem>>) target(%dma_start3A_428 : memref<32x16xf32, #tpu.memory_space<vmem_shared>>) offsets(%arg16 : memref<128xi32, #tpu.memory_space<vmem>>) semaphore(%arg32 : memref<!tpu.dma_semaphore, #tpu.memory_space<semaphore_mem>>) {add = true}
    %dma_start3A_429 = arith.constant 128 : i32
    %dma_start3A_430 = arith.constant 0 : i32
    %dma_start3A_431 = tpu.memref_slice %arg13[%dma_start3A_429, %dma_start3A_430] : memref<256x128xf32, #tpu.memory_space<vmem>> -> memref<128x128xf32, #tpu.memory_space<vmem>>
    %dma_start3A_432 = arith.constant 0 : i32
    %dma_start3A_433 = arith.constant 0 : i32
    %dma_start3A_434 = tpu.memref_slice %arg19[%dma_start3A_432, %dma_start3A_433] : memref<32x128xf32, #tpu.memory_space<vmem_shared>> -> memref<32x128xf32, #tpu.memory_space<vmem_shared>>
    tpu.enqueue_indirect_dma source(%dma_start3A_431 : memref<128x128xf32, #tpu.memory_space<vmem>>) target(%dma_start3A_434 : memref<32x128xf32, #tpu.memory_space<vmem_shared>>) offsets(%arg17 : memref<128xi32, #tpu.memory_space<vmem>>) semaphore(%arg32 : memref<!tpu.dma_semaphore, #tpu.memory_space<semaphore_mem>>) {add = true}
    %dma_start3A_435 = arith.constant 0 : i32
    %dma_start3A_436 = arith.constant 0 : i32
    %dma_start3A_437 = tpu.memref_slice %arg20[%dma_start3A_435, %dma_start3A_436] : memref<32x16xf32, #tpu.memory_space<vmem_shared>> -> memref<32x16xf32, #tpu.memory_space<vmem_shared>>
    tpu.enqueue_indirect_dma source(%arg18 : memref<128x16xf32, #tpu.memory_space<vmem>>) target(%dma_start3A_437 : memref<32x16xf32, #tpu.memory_space<vmem_shared>>) offsets(%arg17 : memref<128xi32, #tpu.memory_space<vmem>>) semaphore(%arg32 : memref<!tpu.dma_semaphore, #tpu.memory_space<semaphore_mem>>) {add = true}
    %dma_wait3A_438 = arith.constant 0 : i32
    %dma_wait3A_439 = arith.constant 0 : i32
    %dma_wait3A_440 = tpu.memref_slice %arg12[%dma_wait3A_438, %dma_wait3A_439] : memref<256x128xf32, #tpu.memory_space<vmem>> -> memref<128x128xf32, #tpu.memory_space<vmem>>
    %dma_wait3A_441 = arith.constant 0 : i32
    %dma_wait3A_442 = arith.constant 0 : i32
    %dma_wait3A_443 = tpu.memref_slice %arg19[%dma_wait3A_441, %dma_wait3A_442] : memref<32x128xf32, #tpu.memory_space<vmem_shared>> -> memref<32x128xf32, #tpu.memory_space<vmem_shared>>
    tpu.wait_indirect_dma semaphore(%arg31 : memref<!tpu.dma_semaphore, #tpu.memory_space<semaphore_mem>>) src(%dma_wait3A_440 : memref<128x128xf32, #tpu.memory_space<vmem>>) dst(%dma_wait3A_443 : memref<32x128xf32, #tpu.memory_space<vmem_shared>>)
    %dma_wait3A_444 = arith.constant 0 : i32
    %dma_wait3A_445 = arith.constant 0 : i32
    %dma_wait3A_446 = tpu.memref_slice %arg20[%dma_wait3A_444, %dma_wait3A_445] : memref<32x16xf32, #tpu.memory_space<vmem_shared>> -> memref<32x16xf32, #tpu.memory_space<vmem_shared>>
    tpu.wait_indirect_dma semaphore(%arg31 : memref<!tpu.dma_semaphore, #tpu.memory_space<semaphore_mem>>) src(%arg18 : memref<128x16xf32, #tpu.memory_space<vmem>>) dst(%dma_wait3A_446 : memref<32x16xf32, #tpu.memory_space<vmem_shared>>)
    %dma_wait3A_447 = arith.constant 128 : i32
    %dma_wait3A_448 = arith.constant 0 : i32
    %dma_wait3A_449 = tpu.memref_slice %arg12[%dma_wait3A_447, %dma_wait3A_448] : memref<256x128xf32, #tpu.memory_space<vmem>> -> memref<128x128xf32, #tpu.memory_space<vmem>>
    %dma_wait3A_450 = arith.constant 0 : i32
    %dma_wait3A_451 = arith.constant 0 : i32
    %dma_wait3A_452 = tpu.memref_slice %arg19[%dma_wait3A_450, %dma_wait3A_451] : memref<32x128xf32, #tpu.memory_space<vmem_shared>> -> memref<32x128xf32, #tpu.memory_space<vmem_shared>>
    tpu.wait_indirect_dma semaphore(%arg31 : memref<!tpu.dma_semaphore, #tpu.memory_space<semaphore_mem>>) src(%dma_wait3A_449 : memref<128x128xf32, #tpu.memory_space<vmem>>) dst(%dma_wait3A_452 : memref<32x128xf32, #tpu.memory_space<vmem_shared>>)
    %dma_wait3A_453 = arith.constant 0 : i32
    %dma_wait3A_454 = arith.constant 0 : i32
    %dma_wait3A_455 = tpu.memref_slice %arg20[%dma_wait3A_453, %dma_wait3A_454] : memref<32x16xf32, #tpu.memory_space<vmem_shared>> -> memref<32x16xf32, #tpu.memory_space<vmem_shared>>
    tpu.wait_indirect_dma semaphore(%arg31 : memref<!tpu.dma_semaphore, #tpu.memory_space<semaphore_mem>>) src(%arg18 : memref<128x16xf32, #tpu.memory_space<vmem>>) dst(%dma_wait3A_455 : memref<32x16xf32, #tpu.memory_space<vmem_shared>>)
    %dma_wait3A_456 = arith.constant 0 : i32
    %dma_wait3A_457 = arith.constant 0 : i32
    %dma_wait3A_458 = tpu.memref_slice %arg13[%dma_wait3A_456, %dma_wait3A_457] : memref<256x128xf32, #tpu.memory_space<vmem>> -> memref<128x128xf32, #tpu.memory_space<vmem>>
    %dma_wait3A_459 = arith.constant 0 : i32
    %dma_wait3A_460 = arith.constant 0 : i32
    %dma_wait3A_461 = tpu.memref_slice %arg19[%dma_wait3A_459, %dma_wait3A_460] : memref<32x128xf32, #tpu.memory_space<vmem_shared>> -> memref<32x128xf32, #tpu.memory_space<vmem_shared>>
    tpu.wait_indirect_dma semaphore(%arg32 : memref<!tpu.dma_semaphore, #tpu.memory_space<semaphore_mem>>) src(%dma_wait3A_458 : memref<128x128xf32, #tpu.memory_space<vmem>>) dst(%dma_wait3A_461 : memref<32x128xf32, #tpu.memory_space<vmem_shared>>)
    %dma_wait3A_462 = arith.constant 0 : i32
    %dma_wait3A_463 = arith.constant 0 : i32
    %dma_wait3A_464 = tpu.memref_slice %arg20[%dma_wait3A_462, %dma_wait3A_463] : memref<32x16xf32, #tpu.memory_space<vmem_shared>> -> memref<32x16xf32, #tpu.memory_space<vmem_shared>>
    tpu.wait_indirect_dma semaphore(%arg32 : memref<!tpu.dma_semaphore, #tpu.memory_space<semaphore_mem>>) src(%arg18 : memref<128x16xf32, #tpu.memory_space<vmem>>) dst(%dma_wait3A_464 : memref<32x16xf32, #tpu.memory_space<vmem_shared>>)
    %dma_wait3A_465 = arith.constant 128 : i32
    %dma_wait3A_466 = arith.constant 0 : i32
    %dma_wait3A_467 = tpu.memref_slice %arg13[%dma_wait3A_465, %dma_wait3A_466] : memref<256x128xf32, #tpu.memory_space<vmem>> -> memref<128x128xf32, #tpu.memory_space<vmem>>
    %dma_wait3A_468 = arith.constant 0 : i32
    %dma_wait3A_469 = arith.constant 0 : i32
    %dma_wait3A_470 = tpu.memref_slice %arg19[%dma_wait3A_468, %dma_wait3A_469] : memref<32x128xf32, #tpu.memory_space<vmem_shared>> -> memref<32x128xf32, #tpu.memory_space<vmem_shared>>
    tpu.wait_indirect_dma semaphore(%arg32 : memref<!tpu.dma_semaphore, #tpu.memory_space<semaphore_mem>>) src(%dma_wait3A_467 : memref<128x128xf32, #tpu.memory_space<vmem>>) dst(%dma_wait3A_470 : memref<32x128xf32, #tpu.memory_space<vmem_shared>>)
    %dma_wait3A_471 = arith.constant 0 : i32
    %dma_wait3A_472 = arith.constant 0 : i32
    %dma_wait3A_473 = tpu.memref_slice %arg20[%dma_wait3A_471, %dma_wait3A_472] : memref<32x16xf32, #tpu.memory_space<vmem_shared>> -> memref<32x16xf32, #tpu.memory_space<vmem_shared>>
    tpu.wait_indirect_dma semaphore(%arg32 : memref<!tpu.dma_semaphore, #tpu.memory_space<semaphore_mem>>) src(%arg18 : memref<128x16xf32, #tpu.memory_space<vmem>>) dst(%dma_wait3A_473 : memref<32x16xf32, #tpu.memory_space<vmem_shared>>)
    %barrier3A_474 = arith.constant 0 : index
    tpu.barrier barrier_id(%barrier3A_474)
    %eq3A_475 = arith.constant 0 : i32
    %eq3A_476 = arith.cmpi eq, %arg1, %eq3A_475 : i32
    %convert_element_type3A_477 = arith.extui %eq3A_476 : i1 to i32
    %cond3A_478 = arith.constant 0 : i32
    %cond3A_479 = arith.cmpi ne, %convert_element_type3A_477, %cond3A_478 : i32
    scf.if %cond3A_479 {
      "tpu.region"() ({
        %run_scoped3A = tpu.sem_alloc : memref<!tpu.dma_semaphore, #tpu.memory_space<semaphore_mem>>
        %dma_start3A_480 = arith.constant 0 : i32
        %dma_start3A_481 = arith.constant 0 : i32
        %dma_start3A_482 = tpu.memref_slice %arg9[%arg0, %dma_start3A_480, %dma_start3A_481] : memref<2x32x128xf32, #tpu.memory_space<hbm>> -> memref<1x32x128xf32, #tpu.memory_space<hbm>>
        %dma_start3A_483 = tpu.memref_squeeze %dma_start3A_482 : memref<1x32x128xf32, #tpu.memory_space<hbm>> -> memref<32x128xf32, #tpu.memory_space<hbm>>
        tpu.enqueue_dma source(%arg19 : memref<32x128xf32, #tpu.memory_space<vmem_shared>>) target(%dma_start3A_483 : memref<32x128xf32, #tpu.memory_space<hbm>>) target_semaphore(%run_scoped3A : memref<!tpu.dma_semaphore, #tpu.memory_space<semaphore_mem>>)
        %dma_wait3A_484 = arith.constant 0 : i32
        %dma_wait3A_485 = arith.constant 0 : i32
        %dma_wait3A_486 = tpu.memref_slice %arg9[%arg0, %dma_wait3A_484, %dma_wait3A_485] : memref<2x32x128xf32, #tpu.memory_space<hbm>> -> memref<1x32x128xf32, #tpu.memory_space<hbm>>
        %dma_wait3A_487 = tpu.memref_squeeze %dma_wait3A_486 : memref<1x32x128xf32, #tpu.memory_space<hbm>> -> memref<32x128xf32, #tpu.memory_space<hbm>>
        tpu.wait_dma2 semaphore(%run_scoped3A : memref<!tpu.dma_semaphore, #tpu.memory_space<semaphore_mem>>) src(%arg19 : memref<32x128xf32, #tpu.memory_space<vmem_shared>>) dst(%dma_wait3A_487 : memref<32x128xf32, #tpu.memory_space<hbm>>)
        tpu.yield
      }) : () -> ()
      "tpu.region"() ({
        %run_scoped3A = tpu.sem_alloc : memref<!tpu.dma_semaphore, #tpu.memory_space<semaphore_mem>>
        %dma_start3A_480 = arith.constant 0 : i32
        %dma_start3A_481 = arith.constant 0 : i32
        %dma_start3A_482 = tpu.memref_slice %arg10[%arg0, %dma_start3A_480, %dma_start3A_481] : memref<2x32x16xf32, #tpu.memory_space<hbm>> -> memref<1x32x16xf32, #tpu.memory_space<hbm>>
        %dma_start3A_483 = tpu.memref_squeeze %dma_start3A_482 : memref<1x32x16xf32, #tpu.memory_space<hbm>> -> memref<32x16xf32, #tpu.memory_space<hbm>>
        tpu.enqueue_dma source(%arg20 : memref<32x16xf32, #tpu.memory_space<vmem_shared>>) target(%dma_start3A_483 : memref<32x16xf32, #tpu.memory_space<hbm>>) target_semaphore(%run_scoped3A : memref<!tpu.dma_semaphore, #tpu.memory_space<semaphore_mem>>)
        %dma_wait3A_484 = arith.constant 0 : i32
        %dma_wait3A_485 = arith.constant 0 : i32
        %dma_wait3A_486 = tpu.memref_slice %arg10[%arg0, %dma_wait3A_484, %dma_wait3A_485] : memref<2x32x16xf32, #tpu.memory_space<hbm>> -> memref<1x32x16xf32, #tpu.memory_space<hbm>>
        %dma_wait3A_487 = tpu.memref_squeeze %dma_wait3A_486 : memref<1x32x16xf32, #tpu.memory_space<hbm>> -> memref<32x16xf32, #tpu.memory_space<hbm>>
        tpu.wait_dma2 semaphore(%run_scoped3A : memref<!tpu.dma_semaphore, #tpu.memory_space<semaphore_mem>>) src(%arg20 : memref<32x16xf32, #tpu.memory_space<vmem_shared>>) dst(%dma_wait3A_487 : memref<32x16xf32, #tpu.memory_space<hbm>>)
        tpu.yield
      }) : () -> ()
    } else {
    }
    return
  }
}

module attributes {stable_mosaic.version = 14 : i64} {
  func.func @_fix_body(%arg0: i32, %arg1: memref<1024x8x128xf32, #tpu.memory_space<vmem>>, %arg2: memref<1024x64xi32, #tpu.memory_space<vmem>>, %arg3: memref<64x128xf32, #tpu.memory_space<vmem>>, %arg4: memref<64x16xf32, #tpu.memory_space<vmem>>, %arg5: memref<32x128xf32, #tpu.memory_space<vmem>>, %arg6: memref<1024x1xf32, #tpu.memory_space<vmem>>, %arg7: memref<1024x1xf32, #tpu.memory_space<vmem>>, %arg8: memref<1x1xf32, #tpu.memory_space<vmem>>) attributes {dimension_semantics = [#tpu.dimension_semantics<arbitrary>], iteration_bounds = array<i64: 1>, scalar_prefetch = 0 : i64, scratch_operands = 0 : i64, tpu.core_type = #tpu.core_type<tc>, window_params = [{transform_indices = @transform_0, window_bounds = array<i64: 1024, 8, 128>}, {pipeline_mode = #tpu.pipeline_mode<synchronous>, transform_indices = @transform_1, window_bounds = array<i64: 1024, 64>}, {pipeline_mode = #tpu.pipeline_mode<synchronous>, transform_indices = @transform_2, window_bounds = array<i64: 64, 128>}, {pipeline_mode = #tpu.pipeline_mode<synchronous>, transform_indices = @transform_3, window_bounds = array<i64: 64, 16>}, {pipeline_mode = #tpu.pipeline_mode<synchronous>, transform_indices = @transform_4, window_bounds = array<i64: 32, 128>}, {pipeline_mode = #tpu.pipeline_mode<synchronous>, transform_indices = @transform_5, window_bounds = array<i64: 1024, 1>}, {pipeline_mode = #tpu.pipeline_mode<synchronous>, transform_indices = @transform_6, window_bounds = array<i64: 1024, 1>}, {pipeline_mode = #tpu.pipeline_mode<synchronous>, transform_indices = @transform_7, window_bounds = array<i64: 1, 1>}]} {
    %get3A = arith.constant 0 : index
    %get3A_0 = arith.constant 0 : index
    %get3A_1 = vector.load %arg3[%get3A, %get3A_0] : memref<64x128xf32, #tpu.memory_space<vmem>>, vector<32x128xf32>
    %get3A_2 = arith.constant 32 : index
    %get3A_3 = arith.constant 0 : index
    %get3A_4 = vector.load %arg3[%get3A_2, %get3A_3] : memref<64x128xf32, #tpu.memory_space<vmem>>, vector<32x128xf32>
    %add3A = arith.addf %get3A_1, %get3A_4 : vector<32x128xf32>
    %get3A_5 = arith.constant 0 : index
    %get3A_6 = arith.constant 0 : index
    %get3A_7 = vector.load %arg4[%get3A_5, %get3A_6] : memref<64x16xf32, #tpu.memory_space<vmem>>, vector<32x1xf32>
    %get3A_8 = arith.constant 32 : index
    %get3A_9 = arith.constant 0 : index
    %get3A_10 = vector.load %arg4[%get3A_8, %get3A_9] : memref<64x16xf32, #tpu.memory_space<vmem>>, vector<32x1xf32>
    %add3A_11 = arith.addf %get3A_7, %get3A_10 : vector<32x1xf32>
    %max3A = arith.constant 1.000000e+00 : f32
    %max3A_12 = vector.broadcast %max3A : f32 to vector<32x1xf32>
    %max3A_13 = arith.maximumf %add3A_11, %max3A_12 : vector<32x1xf32>
    %div3A = vector.broadcast %max3A_13 : vector<32x1xf32> to vector<32x128xf32>
    %div3A_14 = arith.divf %add3A, %div3A : vector<32x128xf32>
    %mul3A = arith.mulf %div3A_14, %div3A_14 : vector<32x128xf32>
    %reduce_sum3A = arith.constant dense<0.000000e+00> : vector<32xf32>
    %reduce_sum3A_15 = vector.multi_reduction <add>, %mul3A, %reduce_sum3A [1] : vector<32x128xf32> to vector<32xf32>
    %broadcast_in_dim3A = vector.shape_cast %reduce_sum3A_15 : vector<32xf32> to vector<32x1xf32>
    %sqrt3A = math.sqrt %broadcast_in_dim3A : vector<32x1xf32>
    %add3A_16 = arith.constant 9.99999996E-13 : f32
    %add3A_17 = vector.broadcast %add3A_16 : f32 to vector<32x1xf32>
    %add3A_18 = arith.addf %sqrt3A, %add3A_17 : vector<32x1xf32>
    %div3A_19 = vector.broadcast %add3A_18 : vector<32x1xf32> to vector<32x128xf32>
    %div3A_20 = arith.divf %div3A_14, %div3A_19 : vector<32x128xf32>
    %convert_element_type3A = arith.truncf %div3A_20 : vector<32x128xf32> to vector<32x128xbf16>
    %get3A_21 = arith.constant 0 : index
    %get3A_22 = arith.constant 0 : index
    %get3A_23 = vector.load %arg5[%get3A_21, %get3A_22] : memref<32x128xf32, #tpu.memory_space<vmem>>, vector<32x128xf32>
    %mul3A_24 = arith.mulf %get3A_23, %get3A_23 : vector<32x128xf32>
    %reduce_sum3A_25 = arith.constant dense<0.000000e+00> : vector<32xf32>
    %reduce_sum3A_26 = vector.multi_reduction <add>, %mul3A_24, %reduce_sum3A_25 [1] : vector<32x128xf32> to vector<32xf32>
    %broadcast_in_dim3A_27 = vector.shape_cast %reduce_sum3A_26 : vector<32xf32> to vector<32x1xf32>
    %sqrt3A_28 = math.sqrt %broadcast_in_dim3A_27 : vector<32x1xf32>
    %add3A_29 = arith.constant 9.99999996E-13 : f32
    %add3A_30 = vector.broadcast %add3A_29 : f32 to vector<32x1xf32>
    %add3A_31 = arith.addf %sqrt3A_28, %add3A_30 : vector<32x1xf32>
    %div3A_32 = arith.constant 1.000000e+00 : f32
    %div3A_33 = vector.broadcast %div3A_32 : f32 to vector<32x1xf32>
    %div3A_34 = arith.divf %div3A_33, %add3A_31 : vector<32x1xf32>
    %mul3A_35 = vector.broadcast %div3A_34 : vector<32x1xf32> to vector<32x128xf32>
    %mul3A_36 = arith.mulf %get3A_23, %mul3A_35 : vector<32x128xf32>
    %convert_element_type3A_37 = arith.truncf %mul3A_36 : vector<32x128xf32> to vector<32x128xbf16>
    %get3A_38 = arith.constant 0 : index
    %get3A_39 = arith.constant 0 : index
    %get3A_40 = arith.constant 0 : index
    %get3A_41 = vector.load %arg1[%get3A_38, %get3A_39, %get3A_40] : memref<1024x8x128xf32, #tpu.memory_space<vmem>>, vector<1024x1x128xf32>
    %get3A_42 = vector.shape_cast %get3A_41 : vector<1024x1x128xf32> to vector<1024x128xf32>
    %mul3A_43 = arith.mulf %get3A_42, %get3A_42 : vector<1024x128xf32>
    %reduce_sum3A_44 = arith.constant dense<0.000000e+00> : vector<1024xf32>
    %reduce_sum3A_45 = vector.multi_reduction <add>, %mul3A_43, %reduce_sum3A_44 [1] : vector<1024x128xf32> to vector<1024xf32>
    %broadcast_in_dim3A_46 = vector.shape_cast %reduce_sum3A_45 : vector<1024xf32> to vector<1024x1xf32>
    %sqrt3A_47 = math.sqrt %broadcast_in_dim3A_46 : vector<1024x1xf32>
    %add3A_48 = arith.constant 9.99999996E-13 : f32
    %add3A_49 = vector.broadcast %add3A_48 : f32 to vector<1024x1xf32>
    %add3A_50 = arith.addf %sqrt3A_47, %add3A_49 : vector<1024x1xf32>
    %mul3A_51 = arith.constant 7.000000e-02 : f32
    %mul3A_52 = vector.broadcast %mul3A_51 : f32 to vector<1024x1xf32>
    %mul3A_53 = arith.mulf %add3A_50, %mul3A_52 : vector<1024x1xf32>
    %div3A_54 = vector.broadcast %mul3A_53 : vector<1024x1xf32> to vector<1024x128xf32>
    %div3A_55 = arith.divf %get3A_42, %div3A_54 : vector<1024x128xf32>
    %convert_element_type3A_56 = arith.truncf %div3A_55 : vector<1024x128xf32> to vector<1024x128xbf16>
    %dot_general3A = arith.constant dense<0.000000e+00> : vector<1024x32xf32>
    %dot_general3A_57 = tpu.matmul %convert_element_type3A_56, %convert_element_type3A, %dot_general3A {dimension_numbers = #tpu.dot_dimension_numbers<[1], [1], [0], [0], [0, 0, 1, 0], [], []>, transpose_lhs_hint = false} : vector<1024x128xbf16>, vector<32x128xbf16>, vector<1024x32xf32> -> vector<1024x32xf32>
    %dot_general3A_58 = arith.constant dense<0.000000e+00> : vector<1024x32xf32>
    %dot_general3A_59 = tpu.matmul %convert_element_type3A_56, %convert_element_type3A_37, %dot_general3A_58 {dimension_numbers = #tpu.dot_dimension_numbers<[1], [1], [0], [0], [0, 0, 1, 0], [], []>, transpose_lhs_hint = false} : vector<1024x128xbf16>, vector<32x128xbf16>, vector<1024x32xf32> -> vector<1024x32xf32>
    %iota3A = tpu.iota {dimensions = array<i32: 1>} : vector<1x32xi32>
    %lt3A = arith.constant 19 : i32
    %lt3A_60 = vector.broadcast %lt3A : i32 to vector<1x32xi32>
    %lt3A_61 = arith.cmpi slt, %iota3A, %lt3A_60 : vector<1x32xi32>
    %convert_element_type3A_62 = arith.extui %lt3A_61 : vector<1x32xi1> to vector<1x32xi32>
    %convert_element_type3A_63 = arith.sitofp %convert_element_type3A_62 : vector<1x32xi32> to vector<1x32xf32>
    %get3A_64 = arith.constant 0 : index
    %get3A_65 = arith.constant 0 : index
    %get3A_66 = vector.load %arg6[%get3A_64, %get3A_65] : memref<1024x1xf32, #tpu.memory_space<vmem>>, vector<1024x1xf32>
    %exp3A = math.exp %dot_general3A_57 : vector<1024x32xf32>
    %exp3A_67 = math.exp %dot_general3A_59 : vector<1024x32xf32>
    %sub3A = arith.subf %exp3A, %exp3A_67 : vector<1024x32xf32>
    %mul3A_68 = vector.broadcast %convert_element_type3A_63 : vector<1x32xf32> to vector<1024x32xf32>
    %mul3A_69 = arith.mulf %mul3A_68, %sub3A : vector<1024x32xf32>
    %reduce_sum3A_70 = arith.constant dense<0.000000e+00> : vector<1024xf32>
    %reduce_sum3A_71 = vector.multi_reduction <add>, %mul3A_69, %reduce_sum3A_70 [1] : vector<1024x32xf32> to vector<1024xf32>
    %broadcast_in_dim3A_72 = vector.shape_cast %reduce_sum3A_71 : vector<1024xf32> to vector<1024x1xf32>
    %add3A_73 = arith.addf %get3A_66, %broadcast_in_dim3A_72 : vector<1024x1xf32>
    %get3A_74 = arith.constant 0 : index
    %get3A_75 = arith.constant 0 : index
    %get3A_76 = vector.load %arg2[%get3A_74, %get3A_75] : memref<1024x64xi32, #tpu.memory_space<vmem>>, vector<1024x1xi32>
    %eq3A = vector.broadcast %get3A_76 : vector<1024x1xi32> to vector<1024x32xi32>
    %eq3A_77 = vector.broadcast %iota3A : vector<1x32xi32> to vector<1024x32xi32>
    %eq3A_78 = arith.cmpi eq, %eq3A, %eq3A_77 : vector<1024x32xi32>
    %convert_element_type3A_79 = arith.extui %eq3A_78 : vector<1024x32xi1> to vector<1024x32xi32>
    %convert_element_type3A_80 = arith.sitofp %convert_element_type3A_79 : vector<1024x32xi32> to vector<1024x32xf32>
    %get3A_81 = arith.constant 0 : index
    %get3A_82 = arith.constant 0 : index
    %get3A_83 = vector.load %arg7[%get3A_81, %get3A_82] : memref<1024x1xf32, #tpu.memory_space<vmem>>, vector<1024x1xf32>
    %sub3A_84 = arith.subf %dot_general3A_57, %dot_general3A_59 : vector<1024x32xf32>
    %mul3A_85 = arith.mulf %convert_element_type3A_80, %sub3A_84 : vector<1024x32xf32>
    %reduce_sum3A_86 = arith.constant dense<0.000000e+00> : vector<1024xf32>
    %reduce_sum3A_87 = vector.multi_reduction <add>, %mul3A_85, %reduce_sum3A_86 [1] : vector<1024x32xf32> to vector<1024xf32>
    %broadcast_in_dim3A_88 = vector.shape_cast %reduce_sum3A_87 : vector<1024xf32> to vector<1024x1xf32>
    %add3A_89 = arith.addf %get3A_83, %broadcast_in_dim3A_88 : vector<1024x1xf32>
    %add3A_90 = arith.constant 9.99999996E-13 : f32
    %add3A_91 = vector.broadcast %add3A_90 : f32 to vector<1024x1xf32>
    %add3A_92 = arith.addf %add3A_73, %add3A_91 : vector<1024x1xf32>
    %log3A = math.log %add3A_92 : vector<1024x1xf32>
    %mul3A_93 = arith.constant 5.000000e-04 : f32
    %mul3A_94 = vector.broadcast %mul3A_93 : f32 to vector<1024x1xf32>
    %mul3A_95 = arith.mulf %add3A_89, %mul3A_94 : vector<1024x1xf32>
    %sub3A_96 = arith.subf %log3A, %mul3A_95 : vector<1024x1xf32>
    %reduce_sum3A_97 = vector.shape_cast %sub3A_96 : vector<1024x1xf32> to vector<1x1024x1xf32>
    %reduce_sum3A_98 = arith.constant dense<0.000000e+00> : vector<1xf32>
    %reduce_sum3A_99 = vector.multi_reduction <add>, %reduce_sum3A_97, %reduce_sum3A_98 [1, 2] : vector<1x1024x1xf32> to vector<1xf32>
    %reduce_sum3A_100 = vector.shape_cast %reduce_sum3A_99 : vector<1xf32> to vector<1x1x1xf32>
    %reduce_sum3A_101 = vector.extract %reduce_sum3A_100[0, 0, 0] : f32 from vector<1x1x1xf32>
    %div3A_102 = arith.constant 1.024000e+03 : f32
    %div3A_103 = arith.divf %reduce_sum3A_101, %div3A_102 : f32
    %broadcast_in_dim3A_104 = vector.broadcast %div3A_103 : f32 to vector<1x1xf32>
    %swap3A = arith.constant 0 : index
    %swap3A_105 = arith.constant 0 : index
    %swap3A_106 = vector.load %arg8[%swap3A, %swap3A_105] : memref<1x1xf32, #tpu.memory_space<vmem>>, vector<1x1xf32>
    tpu.vector_store %arg8[%swap3A, %swap3A_105], %broadcast_in_dim3A_104 {strides = array<i32>} : memref<1x1xf32, #tpu.memory_space<vmem>>, vector<1x1xf32>,
    return
  }
  func.func @transform_0(%arg0: i32) -> (i32, i32, i32) {
    %c0_i32 = arith.constant 0 : i32
    %c0_i32_0 = arith.constant 0 : i32
    %c0_i32_1 = arith.constant 0 : i32
    %c0_i32_2 = arith.constant 0 : i32
    return %c0_i32, %c0_i32_0, %c0_i32_1 : i32, i32, i32
  }
  func.func @transform_1(%arg0: i32) -> (i32, i32) {
    %c0_i32 = arith.constant 0 : i32
    %c0_i32_0 = arith.constant 0 : i32
    %c0_i32_1 = arith.constant 0 : i32
    return %c0_i32, %c0_i32_0 : i32, i32
  }
  func.func @transform_2(%arg0: i32) -> (i32, i32) {
    %c0_i32 = arith.constant 0 : i32
    %c0_i32_0 = arith.constant 0 : i32
    %c0_i32_1 = arith.constant 0 : i32
    return %c0_i32, %c0_i32_0 : i32, i32
  }
  func.func @transform_3(%arg0: i32) -> (i32, i32) {
    %c0_i32 = arith.constant 0 : i32
    %c0_i32_0 = arith.constant 0 : i32
    %c0_i32_1 = arith.constant 0 : i32
    return %c0_i32, %c0_i32_0 : i32, i32
  }
  func.func @transform_4(%arg0: i32) -> (i32, i32) {
    %c0_i32 = arith.constant 0 : i32
    %c0_i32_0 = arith.constant 0 : i32
    %c0_i32_1 = arith.constant 0 : i32
    return %c0_i32, %c0_i32_0 : i32, i32
  }
  func.func @transform_5(%arg0: i32) -> (i32, i32) {
    %c0_i32 = arith.constant 0 : i32
    %c0_i32_0 = arith.constant 0 : i32
    %c0_i32_1 = arith.constant 0 : i32
    return %c0_i32, %c0_i32_0 : i32, i32
  }
  func.func @transform_6(%arg0: i32) -> (i32, i32) {
    %c0_i32 = arith.constant 0 : i32
    %c0_i32_0 = arith.constant 0 : i32
    %c0_i32_1 = arith.constant 0 : i32
    return %c0_i32, %c0_i32_0 : i32, i32
  }
  func.func @transform_7(%arg0: i32) -> (i32, i32) {
    %c0_i32 = arith.constant 0 : i32
    %c0_i32_0 = arith.constant 0 : i32
    %c0_i32_1 = arith.constant 0 : i32
    return %c0_i32, %c0_i32_0 : i32, i32
  }
}

module attributes {stable_mosaic.version = 14 : i64} {
  func.func @_bank_body(%arg0: i32, %arg1: memref<2000x128xf32, #tpu.memory_space<vmem>>, %arg2: memref<1024x8x128xf32, #tpu.memory_space<vmem>>, %arg3: memref<1024x64xi32, #tpu.memory_space<vmem>>, %arg4: memref<1024x1xf32, #tpu.memory_space<vmem>>, %arg5: memref<1024x1xf32, #tpu.memory_space<vmem>>, %arg6: memref<1024x128xbf16, #tpu.memory_space<vmem>>) attributes {dimension_semantics = [#tpu.dimension_semantics<arbitrary>], iteration_bounds = array<i64: 19>, scalar_prefetch = 0 : i64, scratch_operands = 1 : i64, tpu.core_type = #tpu.core_type<tc>, window_params = [{transform_indices = @transform_0, window_bounds = array<i64: 2000, 128>}, {transform_indices = @transform_1, window_bounds = array<i64: 1024, 8, 128>}, {pipeline_mode = #tpu.pipeline_mode<synchronous>, transform_indices = @transform_2, window_bounds = array<i64: 1024, 64>}, {pipeline_mode = #tpu.pipeline_mode<synchronous>, transform_indices = @transform_3, window_bounds = array<i64: 1024, 1>}, {pipeline_mode = #tpu.pipeline_mode<synchronous>, transform_indices = @transform_4, window_bounds = array<i64: 1024, 1>}]} {
    %eq3A = arith.constant 0 : i32
    %eq3A_0 = arith.cmpi eq, %arg0, %eq3A : i32
    %convert_element_type3A = arith.extui %eq3A_0 : i1 to i32
    %cond3A = arith.constant 0 : i32
    %cond3A_1 = arith.cmpi ne, %convert_element_type3A, %cond3A : i32
    scf.if %cond3A_1 {
      %get3A_51 = arith.constant 0 : index
      %get3A_52 = arith.constant 0 : index
      %get3A_53 = arith.constant 0 : index
      %get3A_54 = vector.load %arg2[%get3A_51, %get3A_52, %get3A_53] : memref<1024x8x128xf32, #tpu.memory_space<vmem>>, vector<1024x1x128xf32>
      %get3A_55 = vector.shape_cast %get3A_54 : vector<1024x1x128xf32> to vector<1024x128xf32>
      %mul3A_56 = arith.mulf %get3A_55, %get3A_55 : vector<1024x128xf32>
      %reduce_sum3A_57 = arith.constant dense<0.000000e+00> : vector<1024xf32>
      %reduce_sum3A_58 = vector.multi_reduction <add>, %mul3A_56, %reduce_sum3A_57 [1] : vector<1024x128xf32> to vector<1024xf32>
      %broadcast_in_dim3A_59 = vector.shape_cast %reduce_sum3A_58 : vector<1024xf32> to vector<1024x1xf32>
      %sqrt3A_60 = math.sqrt %broadcast_in_dim3A_59 : vector<1024x1xf32>
      %add3A_61 = arith.constant 9.99999996E-13 : f32
      %add3A_62 = vector.broadcast %add3A_61 : f32 to vector<1024x1xf32>
      %add3A_63 = arith.addf %sqrt3A_60, %add3A_62 : vector<1024x1xf32>
      %mul3A_64 = arith.constant 7.000000e-02 : f32
      %mul3A_65 = vector.broadcast %mul3A_64 : f32 to vector<1024x1xf32>
      %mul3A_66 = arith.mulf %add3A_63, %mul3A_65 : vector<1024x1xf32>
      %div3A_67 = vector.broadcast %mul3A_66 : vector<1024x1xf32> to vector<1024x128xf32>
      %div3A_68 = arith.divf %get3A_55, %div3A_67 : vector<1024x128xf32>
      %convert_element_type3A_69 = arith.truncf %div3A_68 : vector<1024x128xf32> to vector<1024x128xbf16>
      %swap3A_70 = arith.constant 0 : index
      %swap3A_71 = arith.constant 0 : index
      %swap3A_72 = vector.load %arg6[%swap3A_70, %swap3A_71] : memref<1024x128xbf16, #tpu.memory_space<vmem>>, vector<1024x128xbf16>
      tpu.vector_store %arg6[%swap3A_70, %swap3A_71], %convert_element_type3A_69 {strides = array<i32>} : memref<1024x128xbf16, #tpu.memory_space<vmem>>, vector<1024x128xbf16>,
      %broadcast_in_dim3A_73 = arith.constant 0.000000e+00 : f32
      %broadcast_in_dim3A_74 = vector.broadcast %broadcast_in_dim3A_73 : f32 to vector<1024x1xf32>
      %swap3A_75 = arith.constant 0 : index
      %swap3A_76 = arith.constant 0 : index
      %swap3A_77 = vector.load %arg4[%swap3A_75, %swap3A_76] : memref<1024x1xf32, #tpu.memory_space<vmem>>, vector<1024x1xf32>
      tpu.vector_store %arg4[%swap3A_75, %swap3A_76], %broadcast_in_dim3A_74 {strides = array<i32>} : memref<1024x1xf32, #tpu.memory_space<vmem>>, vector<1024x1xf32>,
      %broadcast_in_dim3A_78 = arith.constant 0.000000e+00 : f32
      %broadcast_in_dim3A_79 = vector.broadcast %broadcast_in_dim3A_78 : f32 to vector<1024x1xf32>
      %swap3A_80 = arith.constant 0 : index
      %swap3A_81 = arith.constant 0 : index
      %swap3A_82 = vector.load %arg5[%swap3A_80, %swap3A_81] : memref<1024x1xf32, #tpu.memory_space<vmem>>, vector<1024x1xf32>
      tpu.vector_store %arg5[%swap3A_80, %swap3A_81], %broadcast_in_dim3A_79 {strides = array<i32>} : memref<1024x1xf32, #tpu.memory_space<vmem>>, vector<1024x1xf32>,
    } else {
    }
    %get3A = arith.constant 0 : index
    %get3A_2 = arith.constant 0 : index
    %get3A_3 = vector.load %arg1[%get3A, %get3A_2] : memref<2000x128xf32, #tpu.memory_space<vmem>>, vector<2000x128xf32>
    %broadcast_in_dim3A = arith.constant 1.000000e+00 : f32
    %broadcast_in_dim3A_4 = vector.broadcast %broadcast_in_dim3A : f32 to vector<128x1xf32>
    %mul3A = arith.mulf %get3A_3, %get3A_3 : vector<2000x128xf32>
    %dot_general3A = arith.constant dense<0.000000e+00> : vector<2000x1xf32>
    %dot_general3A_5 = tpu.matmul %mul3A, %broadcast_in_dim3A_4, %dot_general3A {dimension_numbers = #tpu.dot_dimension_numbers<[1], [0], [0], [1], [0, 0, 1, 1], [], []>, transpose_lhs_hint = false} : vector<2000x128xf32>, vector<128x1xf32>, vector<2000x1xf32> -> vector<2000x1xf32>
    %sqrt3A = math.sqrt %dot_general3A_5 : vector<2000x1xf32>
    %add3A = arith.constant 9.99999996E-13 : f32
    %add3A_6 = vector.broadcast %add3A : f32 to vector<2000x1xf32>
    %add3A_7 = arith.addf %sqrt3A, %add3A_6 : vector<2000x1xf32>
    %div3A = arith.constant 1.000000e+00 : f32
    %div3A_8 = vector.broadcast %div3A : f32 to vector<2000x1xf32>
    %div3A_9 = arith.divf %div3A_8, %add3A_7 : vector<2000x1xf32>
    %mul3A_10 = vector.broadcast %div3A_9 : vector<2000x1xf32> to vector<2000x128xf32>
    %mul3A_11 = arith.mulf %get3A_3, %mul3A_10 : vector<2000x128xf32>
    %convert_element_type3A_12 = arith.truncf %mul3A_11 : vector<2000x128xf32> to vector<2000x128xbf16>
    %get3A_13 = arith.constant 0 : index
    %get3A_14 = arith.constant 0 : index
    %get3A_15 = vector.load %arg6[%get3A_13, %get3A_14] : memref<1024x128xbf16, #tpu.memory_space<vmem>>, vector<1024x128xbf16>
    %dot_general3A_16 = arith.constant dense<0.000000e+00> : vector<1024x2000xf32>
    %dot_general3A_17 = tpu.matmul %get3A_15, %convert_element_type3A_12, %dot_general3A_16 {dimension_numbers = #tpu.dot_dimension_numbers<[1], [1], [0], [0], [0, 0, 1, 0], [], []>, transpose_lhs_hint = false} : vector<1024x128xbf16>, vector<2000x128xbf16>, vector<1024x2000xf32> -> vector<1024x2000xf32>
    %exp3A = math.exp %dot_general3A_17 : vector<1024x2000xf32>
    %get3A_18 = arith.constant 0 : index
    %get3A_19 = arith.constant 0 : index
    %get3A_20 = vector.load %arg4[%get3A_18, %get3A_19] : memref<1024x1xf32, #tpu.memory_space<vmem>>, vector<1024x1xf32>
    %reduce_sum3A = arith.constant dense<0.000000e+00> : vector<1024xf32>
    %reduce_sum3A_21 = vector.multi_reduction <add>, %exp3A, %reduce_sum3A [1] : vector<1024x2000xf32> to vector<1024xf32>
    %broadcast_in_dim3A_22 = vector.shape_cast %reduce_sum3A_21 : vector<1024xf32> to vector<1024x1xf32>
    %add3A_23 = arith.addf %get3A_20, %broadcast_in_dim3A_22 : vector<1024x1xf32>
    %swap3A = arith.constant 0 : index
    %swap3A_24 = arith.constant 0 : index
    %swap3A_25 = vector.load %arg4[%swap3A, %swap3A_24] : memref<1024x1xf32, #tpu.memory_space<vmem>>, vector<1024x1xf32>
    tpu.vector_store %arg4[%swap3A, %swap3A_24], %add3A_23 {strides = array<i32>} : memref<1024x1xf32, #tpu.memory_space<vmem>>, vector<1024x1xf32>,
    %convert_element_type3A_26 = arith.extf %convert_element_type3A_12 : vector<2000x128xbf16> to vector<2000x128xf32>
    %reduce_sum3A_27 = arith.constant dense<0.000000e+00> : vector<128xf32>
    %reduce_sum3A_28 = vector.multi_reduction <add>, %convert_element_type3A_26, %reduce_sum3A_27 [0] : vector<2000x128xf32> to vector<128xf32>
    %broadcast_in_dim3A_29 = vector.shape_cast %reduce_sum3A_28 : vector<128xf32> to vector<1x128xf32>
    %convert_element_type3A_30 = arith.extf %get3A_15 : vector<1024x128xbf16> to vector<1024x128xf32>
    %mul3A_31 = vector.broadcast %broadcast_in_dim3A_29 : vector<1x128xf32> to vector<1024x128xf32>
    %mul3A_32 = arith.mulf %convert_element_type3A_30, %mul3A_31 : vector<1024x128xf32>
    %reduce_sum3A_33 = arith.constant dense<0.000000e+00> : vector<1024xf32>
    %reduce_sum3A_34 = vector.multi_reduction <add>, %mul3A_32, %reduce_sum3A_33 [1] : vector<1024x128xf32> to vector<1024xf32>
    %broadcast_in_dim3A_35 = vector.shape_cast %reduce_sum3A_34 : vector<1024xf32> to vector<1024x1xf32>
    %get3A_36 = arith.constant 0 : index
    %get3A_37 = arith.constant 0 : index
    %get3A_38 = vector.load %arg3[%get3A_36, %get3A_37] : memref<1024x64xi32, #tpu.memory_space<vmem>>, vector<1024x1xi32>
    %eq3A_39 = vector.broadcast %arg0 : i32 to vector<1024x1xi32>
    %eq3A_40 = arith.cmpi eq, %get3A_38, %eq3A_39 : vector<1024x1xi32>
    %convert_element_type3A_41 = arith.extui %eq3A_40 : vector<1024x1xi1> to vector<1024x1xi32>
    %convert_element_type3A_42 = arith.sitofp %convert_element_type3A_41 : vector<1024x1xi32> to vector<1024x1xf32>
    %get3A_43 = arith.constant 0 : index
    %get3A_44 = arith.constant 0 : index
    %get3A_45 = vector.load %arg5[%get3A_43, %get3A_44] : memref<1024x1xf32, #tpu.memory_space<vmem>>, vector<1024x1xf32>
    %mul3A_46 = arith.mulf %convert_element_type3A_42, %broadcast_in_dim3A_35 : vector<1024x1xf32>
    %add3A_47 = arith.addf %get3A_45, %mul3A_46 : vector<1024x1xf32>
    %swap3A_48 = arith.constant 0 : index
    %swap3A_49 = arith.constant 0 : index
    %swap3A_50 = vector.load %arg5[%swap3A_48, %swap3A_49] : memref<1024x1xf32, #tpu.memory_space<vmem>>, vector<1024x1xf32>
    tpu.vector_store %arg5[%swap3A_48, %swap3A_49], %add3A_47 {strides = array<i32>} : memref<1024x1xf32, #tpu.memory_space<vmem>>, vector<1024x1xf32>,
    return
  }
  func.func @transform_0(%arg0: i32) -> (i32, i32) {
    %c0_i32 = arith.constant 0 : i32
    %c0_i32_0 = arith.constant 0 : i32
    return %arg0, %c0_i32 : i32, i32
  }
  func.func @transform_1(%arg0: i32) -> (i32, i32, i32) {
    %c0_i32 = arith.constant 0 : i32
    %c0_i32_0 = arith.constant 0 : i32
    %c0_i32_1 = arith.constant 0 : i32
    %c0_i32_2 = arith.constant 0 : i32
    return %c0_i32, %c0_i32_0, %c0_i32_1 : i32, i32, i32
  }
  func.func @transform_2(%arg0: i32) -> (i32, i32) {
    %c0_i32 = arith.constant 0 : i32
    %c0_i32_0 = arith.constant 0 : i32
    %c0_i32_1 = arith.constant 0 : i32
    return %c0_i32, %c0_i32_0 : i32, i32
  }
  func.func @transform_3(%arg0: i32) -> (i32, i32) {
    %c0_i32 = arith.constant 0 : i32
    %c0_i32_0 = arith.constant 0 : i32
    %c0_i32_1 = arith.constant 0 : i32
    return %c0_i32, %c0_i32_0 : i32, i32
  }
  func.func @transform_4(%arg0: i32) -> (i32, i32) {
    %c0_i32 = arith.constant 0 : i32
    %c0_i32_0 = arith.constant 0 : i32
    %c0_i32_1 = arith.constant 0 : i32
    return %c0_i32, %c0_i32_0 : i32, i32
  }
}

</mosaic_0001>

<sc_bundles>
// kernel: kernel.5.cloned.1.call-start
scs
__scs_entry_jumppad:
0x0: {  	(pc) =	sbr.rel $0x88, $3  }
0x1: {  	(tag) =	ssettag $0x0;
	lr =	simm.s32 $0x1  }
0x2: {  	[smem:$0x3F9D] =	sst lr;
	_ =	strace $0xD0000000  }
0x3: {  	_ = 	snop  }
0x4: {  	_ = 	snop  }
0x5: {  	_ = 	snop  }
0x6: {  	_ = 	snop  }
0x7: {  	_ = 	snop  }
__scs_overlays_trampoline_lowered:
0x8: {  	[smem:$0x3FAC] =	sst s0  }
0x9: {  	[smem:$0x3FAD] =	sst s1  }
0xa: {  	[smem:$0x3FAE] =	sst s2  }
0xb: {  	[smem:$0x3FAF] =	sst s3  }
0xc: {  	[smem:$0x3FB0] =	sst s4  }
0xd: {  	[smem:$0x3FB1] =	sst s5  }
0xe: {  	[smem:$0x3FB2] =	sst s6  }
0xf: {  	[smem:$0x3FB3] =	sst s7  }
0x10: {  	[smem:$0x3FB4] =	sst s8  }
0x11: {  	[smem:$0x3FB5] =	sst s9;
	s0 =	simm.s32 @!p0 $0x0  }
0x12: {  	s1 =	sld [smem:$0x3F9B];
	s0 =	simm.s32 @p0 $0x1  }
0x13: {  	[smem:$0x3FB6] =	sst s0;
	s0 =	simm.s32 @!p1 $0x0  }
0x14: {  	s2 =	sld [smem:$0x3F9A];
	s0 =	simm.s32 @p1 $0x1  }
0x15: {  	[smem:$0x3FB7] =	sst s0;
	s0 =	simm.s32 @!p2 $0x0  }
0x16: {  	s3 =	sld [smem:$0x3FDB];
	s0 =	simm.s32 @p2 $0x1  }
0x17: {  	s4 =	simm.s32 $0x1BF5;
	[smem:$0x3FB9] =	sst s0  }
0x18: {  	s0 =	sld [smem:$0x3F9C];
	_ =	swait.ge [sflag:s4], $0x0  }
0x19: {  	s7 =	sld [smem:$0x3F9D]  }
0x1a: {  	s8 =	sadd.s32 $0xFFFFE003, lr  }
0x1b: {  	s9 =	sadd.s32 $0xFFFFFEF7, lr;
	s5 =	simm.s32 $0xFFFFFFFF;
	p2 =	slt.u32 s8, $0xFFFFF086  }
0x1c: {  	p1 =	slt.u32 s9, $0xF7A;
	s5 =	simm.s32 @!p2 $0x0  }
0x1d: {  	s5 =	simm.s32 @p1 $0x1;
	p0 =	seq.s32 s7, s2  }
0x1e: {  	s7 =	smul.u32 @!p0 $0xF7A, s2;
	p2 =	seq.s32 @!p0 s5, $0x0  }
0x1f: {  	s9 =	smul.u32 $0xF7A, s1;
	s8 =	simm.s32 @!p0 $0x1BF5;
	p2 =	por !p2, p0  }
0x20: {  	[sflag:s8] =	ssyncset.s32 @!p0 $0xFFFFF086;
	s6 =	sadd.s32 @!p0 s3, s7;
	s7 =	simm.s32 @!p0 $0x108  }
0x21: {  	s3 =	sadd.s32 s3, s9;
	s6 =	sadd.s32 @!p0 $0x88, s6;
	s7 =	simm.s32 @p2 $0x1082  }
0x22: {  	[simem:s7], [sflag:s8] =	dma.local @!p0 [hbm:s6], $0xF7A  }
0x23: {  	s9 =	sor.u32 $0xD0000000, s2;
	s6 =	simm.s32 $0x108;
	_ =	swait.ge @!p0 [sflag:s8], $0x0  }
0x24: {  	s3 =	sadd.s32 $0x88, s3;
	s6 =	simm.s32 @!p1 $0x1082;
	[sflag:s4] =	ssyncset.s32 $0xFFFFF086  }
0x25: {  	[simem:s6], [sflag:s4] =	dma.local [hbm:s3], $0xF7A  }
0x26: {  	[smem:$0x3F9D] =	sst s1;
	(tag) =	ssettag s2;
	_ =	strace s9  }
0x27: {  	s1 =	sld [smem:$0x3FAD]  }
0x28: {  	s2 =	sld [smem:$0x3FAE]  }
0x29: {  	s4 =	sld [smem:$0x3FB0]  }
0x2a: {  	p0 =	seq.s32 s5, $0x0;
	s5 =	sld [smem:$0x3FB1]  }
0x2b: {  	s6 =	sld [smem:$0x3FB2]  }
0x2c: {  	s7 =	sld [smem:$0x3FB3]  }
0x2d: {  	s3 =	simm.s32 $0x108;
	s8 =	sld [smem:$0x3FB4]  }
0x2e: {  	s3 =	simm.s32 @!p0 $0x1082;
	s9 =	sld [smem:$0x3FB5]  }
0x2f: {  	lr =	sadd.s32 s0, s3;
	s0 =	sld [smem:$0x3FAC]  }
0x30: {  	s3 =	sld [smem:$0x3FAF]  }
0x31: {  	[smem:$0x3FB8] =	sst s10  }
0x32: {  	s10 =	sld [smem:$0x3FB6];
	_ =	sdelay $0x3  }
0x33: {  	p0 =	seq.s32 s10, $0x1;
	s10 =	sld [smem:$0x3FB8];
	_ =	sdelay $0x3  }
0x34: {  	[smem:$0x3FB8] =	sst s10  }
0x35: {  	s10 =	sld [smem:$0x3FB7];
	_ =	sdelay $0x3  }
0x36: {  	p1 =	seq.s32 s10, $0x1;
	s10 =	sld [smem:$0x3FB8];
	_ =	sdelay $0x3  }
0x37: {  	[smem:$0x3FB8] =	sst s10  }
0x38: {  	s10 =	sld [smem:$0x3FB9]  }
0x39: {  	_ = 	snop;
	(pc) =	sbr.ind lr, $3  }
0x3a: {  	_ = 	snop  }
0x3b: {  	_ = 	snop  }
0x3c: {  	p2 =	seq.s32 s10, $0x1;
	s10 =	sld [smem:$0x3FB8]  }
0x3d: {  	_ =	shalt  }
0x3e: {  	_ =	shalt  }
0x3f: {  	_ =	shalt  }
0x40: {  	_ =	shalt  }
0x41: {  	_ =	shalt  }
0x42: {  	_ =	shalt  }
0x43: {  	_ =	shalt  }
0x44: {  	_ =	shalt  }
0x45: {  	_ =	shalt  }
0x46: {  	_ =	shalt  }
0x47: {  	_ =	shalt  }
0x48: {  	_ =	shalt  }
0x49: {  	_ =	shalt  }
0x4a: {  	_ =	shalt  }
0x4b: {  	_ =	shalt  }
0x4c: {  	_ =	shalt  }
0x4d: {  	_ =	shalt  }
0x4e: {  	_ =	shalt  }
0x4f: {  	_ =	shalt  }
0x50: {  	_ =	shalt  }
0x51: {  	_ =	shalt  }
0x52: {  	_ =	shalt  }
0x53: {  	_ =	shalt  }
0x54: {  	_ =	shalt  }
0x55: {  	_ =	shalt  }
0x56: {  	_ =	shalt  }
0x57: {  	_ =	shalt  }
0x58: {  	_ =	shalt  }
0x59: {  	_ =	shalt  }
0x5a: {  	_ =	shalt  }
0x5b: {  	_ =	shalt  }
0x5c: {  	_ =	shalt  }
0x5d: {  	_ =	shalt  }
0x5e: {  	_ =	shalt  }
0x5f: {  	_ =	shalt  }
0x60: {  	_ =	shalt  }
0x61: {  	_ =	shalt  }
0x62: {  	_ =	shalt  }
0x63: {  	_ =	shalt  }
0x64: {  	_ =	shalt  }
0x65: {  	_ =	shalt  }
0x66: {  	_ =	shalt  }
0x67: {  	_ =	shalt  }
0x68: {  	_ =	shalt  }
0x69: {  	_ =	shalt  }
0x6a: {  	_ =	shalt  }
0x6b: {  	_ =	shalt  }
0x6c: {  	_ =	shalt  }
0x6d: {  	_ =	shalt  }
0x6e: {  	_ =	shalt  }
0x6f: {  	_ =	shalt  }
0x70: {  	_ =	shalt  }
0x71: {  	_ =	shalt  }
0x72: {  	_ =	shalt  }
0x73: {  	_ =	shalt  }
0x74: {  	_ =	shalt  }
0x75: {  	_ =	shalt  }
0x76: {  	_ =	shalt  }
0x77: {  	_ =	shalt  }
0x78: {  	_ =	shalt  }
0x79: {  	_ =	shalt  }
0x7a: {  	_ =	shalt  }
0x7b: {  	_ =	shalt  }
0x7c: {  	_ =	shalt  }
0x7d: {  	_ =	shalt  }
0x7e: {  	_ =	shalt  }
0x7f: {  	_ =	shalt  }
0x80: {  	_ =	shalt  }
0x81: {  	_ =	shalt  }
0x82: {  	_ =	shalt  }
0x83: {  	_ =	shalt  }
0x84: {  	_ =	shalt  }
0x85: {  	_ =	shalt  }
0x86: {  	_ =	shalt  }
0x87: {  	_ =	shalt  }
.Lfunc_end0:
.L_simem_size_0:
called_computation_lowered:
.L_overlay_start_0:
0x88: {  	s2 =	sld [smem:$0x3FD9]  }
0x89: {  	s3 =	sld [smem:$0x3FFE];
	_ =	sdelay $0x1  }
0x8a: {  	s1 =	srdreg.scid  }
0x8b: {  	s0 =	sand.u32 $0x1, s1  }
0x8c: {  	s17 =	sshll.u32 s0, $0xA;
	s2 =	sadd.s32 s3, s2  }
0x8d: {  	s2 =	sadd.s32 s2, s17  }
0x8e: {  	[smem:$0x3FC4] =	sst s2  }
0x8f: {  	_ = 	snop  }
0x90: {  	s2 =	sld [smem:$0x3FC9]  }
0x91: {  	s18 =	sld [smem:$0x3FC8]  }
0x92: {  	s4 =	sld [smem:$0x3FC7]  }
0x93: {  	s5 =	sld [smem:$0x3FD0];
	(tm) =	ssettm $0x1  }
0x94: {  	s6 =	sld [smem:$0x3FFB];
	_ =	sdelay $0x3  }
0x95: {  	_ =	strace s6  }
0x96: {  	s6 =	sld [smem:$0x3FFC];
	_ =	sdelay $0x3  }
0x97: {  	_ =	strace s6  }
0x98: {  	s6 =	sld [smem:$0x3FFD];
	_ =	sdelay $0x3  }
0x99: {  	_ =	strace s6  }
0x9a: {  	_ =	strace $0x8FFFFFFF  }
0x9b: {  	s19 =	sld [smem:$0x3FDB];
	_ =	sdelay $0x1  }
0x9c: {  	s7 =	simm.s32 $_scs_section_size  }
0x9d: {  	s8 =	simm.s32 $_size__tile_overlayer_lowered;
	s9 =	simm.s32 $_tile_overlayer_lowered  }
0x9e: {  	s22 =	simm.s32 $0x1BFF;
	s21 =	sshll.u32 s9, $0x1;
	s6 =	sadd.s32 s7, s19  }
0x9f: {  	s10 =	simm.s32 $0x0;
	s20 =	sshll.u32 s8, $0x1;
	s8 =	sadd.s32 s21, s6  }
0xa0: {  	[timem:s10], [sflag:s22] =	dma.local [hbm:s8], s20  }
0xa1: {  	_ =	swait.ge [sflag:s22], s20  }
0xa2: {  	s7 =	ssub.s32 $0x0, s20;
	[sflag:s22] =	ssyncset.done $0x0  }
0xa3: {  	[sflag:s22] =	ssyncadd.s32 s7;
	_ =	sdelay $0x1  }
0xa4: {  	s23 =	simm.s32 $0x1B8B  }
0xa5: {  	_ =	swait.ge [sflag:s23], $0x1  }
0xa6: {  	[sflag:s23] =	ssyncset.done $0x0  }
0xa7: {  	s25 =	simm.s32 $0x1B8E;
	s24 =	sld [smem:$0x3FFE];
	[sflag:s23] =	ssyncadd.s32 $0xFFFFFFFF  }
0xa8: {  	s26 =	simm.s32 $execute0_lowered;
	[smem:$0x3FD2] =	sst s25  }
0xa9: {  	s8 =	sshll.u32 s26, $0x1;
	_ =	strace $0x80000046;
	[dreg:$0x1] =	wrdreg $0xFFFFFFFF  }
0xaa: {  	s28 =	simm.s32 $_size_execute0_lowered;
	s6 =	sadd.s32 s6, s8;
	[dreg:$0x0] =	wrdreg $0x0  }
0xab: {  	s8 =	sshll.u32 s28, $0x1;
	[dreg:$0x2] =	wrdreg s6  }
0xac: {  	[dreg:$0x3] =	wrdreg s8  }
0xad: {  	[dreg:$0x4] =	wrdreg $0xC0  }
0xae: {  	_ =	task [dreg:s10], $0x5FFFF  }
0xaf: {  	[dreg:$0x1] =	wrdreg $0xFFFFFFFF  }
0xb0: {  	[dreg:$0x0] =	wrdreg $0x60  }
0xb1: {  	[dreg:$0x2] =	wrdreg s2  }
0xb2: {  	[dreg:$0x3] =	wrdreg s18  }
0xb3: {  	[dreg:$0x4] =	wrdreg s4  }
0xb4: {  	[dreg:$0x5] =	wrdreg s5  }
0xb5: {  	[dreg:$0x6] =	wrdreg s24  }
0xb6: {  	[dreg:$0x7] =	wrdreg $0x142000  }
0xb7: {  	[dreg:$0x8] =	wrdreg $0x143000  }
0xb8: {  	[dreg:$0x9] =	wrdreg $0x9  }
0xb9: {  	_ =	task.clear_ibuf [dreg:s10], $0xAFFFF;
	_ =	strace $0x90000046  }
0xba: {  	s29 =	simm.s32 $0x9;
	_ =	strace $0x80000048  }
0xbb: {  	_ =	swait.ge [sflag:s29], $0x1  }
0xbc: {  	[sflag:s29] =	ssyncadd.s32 $0xFFFFFFFF  }
0xbd: {  	_ =	strace $0x90000048  }
0xbe: {  	_ =	sfence  }
0xbf: {  	s30 =	sld [smem:$0x0];
	_ =	sdelay $0x2  }
0xc0: {  	s31 =	sshll.u32 s1, $0xD;
	s1 =	sshrl.u32 s1, $0x2  }
0xc1: {  	s3 =	sand.u32 $0x4000, s31;
	s1 =	sadd.s32 s1, s30  }
0xc2: {  	s0 =	sor.u32 s3, s0;
	s1 =	sshll.u32 s1, $0x11  }
0xc3: {  	s0 =	sor.u32 s1, s0  }
0xc4: {  	s0 =	sadd.s32 $0x8F2B, s0  }
0xc5: {  	[sflag:s0] =	ssyncadd.remote.s32 $0x1  }
0xc6: {  	_ =	sfence.sel $0xFFFF  }
0xc7: {  	[dreg:$0x0] =	wrdreg $0xFFFFFFFF;
	(pc) =	sbr.abs _section_cstart, $3  }
0xc8: {  	[dreg:$0x1] =	wrdreg $0xFFFFFFFF  }
0xc9: {  	_ =	task.clear_ibuf [dreg:s10], $0x2FFFF;
	_ =	strace $0x9FFFFFFF  }
0xca: {  	(tm) =	ssettm $0x7FFFFFFF  }
0xcb: {  	_ =	shalt  }
tec
execute0_lowered:
.L_overlay_start_1:
0x0: {  	(tag) =	ssettag $0x1  }
0x1: {  	s0 =	rddreg [dreg:$0x0]  }
0x2: {  	s1 =	rddreg [dreg:$0x1];
	s2 =	srdreg.scid  }
0x3: {  	s5 =	stileid.u32;
	s6 =	rddreg [dreg:$0x4]  }
0x4: {  	s17 =	rddreg [dreg:$0x5];
	s4 =	sand.u32 $0x1, s2;
	s7 =	sshll.u32 s5, $0xB  }
0x5: {  	s31 =	sadd.s32 $0x1800, s6;
	s3 =	sshll.u32 s4, $0xF;
	s8 =	ssub.s32 $0x2, s4  }
0x6: {  	s7 =	sor.u32 s7, s3;
	s3 =	rddreg [dreg:$0x6];
	s10 =	sshrl.u32 s8, $0x1  }
0x7: {  	s9 =	sor.u32 $0x100, s7;
	s11 =	sshll.u32 s7, $0x4;
	s8 =	ssub.s32 s8, s10  }
0x8: {  	s29 =	sor.u32 $0x200, s7;
	s20 =	sor.u32 $0x500, s7;
	s21 =	sor.u32 $0x600, s7  }
0x9: {  	s22 =	sor.u32 $0x700, s7;
	s24 =	sshrl.u32 s7, $0x3;
	s12 =	sshll.u32 s9, $0x4  }
0xa: {  	s25 =	sadd.s32 s0, s11;
	s11 =	sor.u32 $0x300, s7;
	s13 =	sshll.u32 s29, $0x4  }
0xb: {  	s23 =	sshll.u32 s21, $0x4;
	s29 =	sshrl.u32 s29, $0x3;
	[dreg:$0x8] =	wrdreg s25  }
0xc: {  	s26 =	sadd.s32 s0, s12;
	s12 =	sor.u32 $0x400, s7;
	s14 =	sshll.u32 s11, $0x4  }
0xd: {  	s16 =	sadd.s32 s0, s13;
	s2 =	sadd.s32 s0, s23;
	s25 =	sshrl.u32 s9, $0x3  }
0xe: {  	s9 =	sadd.s32 s1, s24;
	s7 =	sshrl.u32 s11, $0x3;
	s11 =	sshrl.u32 s20, $0x3  }
0xf: {  	s13 =	sshrl.u32 s21, $0x3;
	s21 =	simm.s32 $0x0;
	[dreg:$0x9] =	wrdreg s26  }
0x10: {  	s15 =	sshll.u32 s12, $0x4;
	[dreg:$0xa] =	wrdreg s16;
	s18 =	sadd.s32 s0, s14  }
0x11: {  	s16 =	sshll.u32 s20, $0x4;
	s26 =	sadd.s32 s1, s25;
	[smem:$0x7FF] =	sst s21  }
0x12: {  	s10 =	sshrl.u32 s12, $0x3;
	s14 =	sshrl.u32 s22, $0x3;
	[dreg:$0xb] =	wrdreg s18  }
0x13: {  	s19 =	sadd.s32 s0, s15;
	s18 =	sshll.u32 s22, $0x4;
	[dreg:$0x11] =	wrdreg s26  }
0x14: {  	s16 =	sadd.s32 s0, s16;
	s12 =	sadd.s32 s1, s10;
	[dreg:$0xc] =	wrdreg s19  }
0x15: {  	s15 =	sor.u32 s5, s4;
	[dreg:$0xd] =	wrdreg s16;
	s0 =	sadd.s32 s0, s18  }
0x16: {  	s16 =	sshll.u32 s4, $0x9;
	[dreg:$0xf] =	wrdreg s0;
	s0 =	sadd.s32 s1, s29  }
0x17: {  	s4 =	sadd.s32 $0x1400, s6;
	[dreg:$0x12] =	wrdreg s0;
	s0 =	sadd.s32 s1, s7  }
0x18: {  	s18 =	sadd.s32 s16, s6;
	[dreg:$0x13] =	wrdreg s0;
	s0 =	sadd.s32 s1, s11  }
0x19: {  	s7 =	sadd.s32 s1, s14;
	[dreg:$0x15] =	wrdreg s0;
	s0 =	sadd.s32 s1, s13  }
0x1a: {  	s1 =	sadd.s32 $0x1600, s6;
	s6 =	sadd.s32 $0x2800, s6;
	[dreg:$0x16] =	wrdreg s0  }
0x1b: {  	s19 =	sadd.s32 $0x10, s9;
	_ =	strace $0x80000047;
	[dreg:$0x1b] =	wrdreg s6  }
0x1c: {  	s20 =	sadd.s32 $0x30, s9;
	[dreg:$0x1f] =	wrdreg s19  }
0x1d: {  	s22 =	sadd.s32 $0x50, s9;
	[smem:$0x7F7] =	sst s20  }
0x1e: {  	s23 =	sadd.s32 $0x70, s9;
	[smem:$0x7F8] =	sst s22  }
0x1f: {  	s24 =	sadd.s32 $0x90, s9;
	[smem:$0x7F9] =	sst s23  }
0x20: {  	s25 =	sadd.s32 $0xB0, s9;
	[smem:$0x7FA] =	sst s24  }
0x21: {  	s26 =	sadd.s32 $0xD0, s9;
	[smem:$0x7FB] =	sst s25  }
0x22: {  	s29 =	sadd.s32 $0xF0, s9;
	[smem:$0x7FC] =	sst s26  }
0x23: {  	[smem:$0x7FD] =	sst s29  }
0x24: {  	[dreg:$0xe] =	wrdreg s2  }
0x25: {  	v0 =	vimm.s32 $0xECA86420;
	vm0 =	vcmask $0xB08;
	[dreg:$0x10] =	wrdreg s9  }
0x26: {  	vm1 =	vcmask $0x1310;
	vm2 =	vcmask $0x1B18;
	vm3 =	vcmask $0x300;
	[dreg:$0x14] =	wrdreg s12  }
0x27: {  	vm4 =	vcmask $0x2320;
	vm5 =	vcmask $0x2B28;
	v2 =	vlaneseq.u32;
	s30 =	simm.s32 $0x10000;
	[dreg:$0x17] =	wrdreg s7  }
.Ltmp0:
0x28: {  	vm6 =	vcmask $0x3330;
	vm7 =	vcmask $0x3B38;
	vm8 =	vmmov $0xff;
	s28 =	simm.s32 $0x9;
	[dreg:$0x18] =	wrdreg s4;
	(pc) =	sbr.rel .LBB2_1-.Ltmp0, $4  }
0x29: {  	vm11 =	vcmask $0x1714;
	vm12 =	vcmask $0x1F1C;
	p0 =	sne.s32 s5, $0x0;
	v0 =	vunpack.c.l.s4.s8 v0;
	s8 =	smax.u32 s8, $0x1;
	[dreg:$0x19] =	wrdreg s1  }
0x2a: {  	vm13 =	vcmask $0x2724;
	v1 =	vmul.u32 $0x2, v2;
	v2 =	vmul.u32 $0x7D0, v2;
	s5 =	simm.s32 $0x10200;
	s0 =	sadd.s32 $0x2400, s18;
	[dreg:$0x1a] =	wrdreg s31  }
0x2b: {  	vm14 =	vcmask $0x2F2C;
	vm15 =	vcmask $0x3734;
	v0 =	vunpack.c.0.s8.s32 v0;
	p1 =	sne.s32 s15, $0x0;
	s6 =	sadd.s32 $0x2000, s18;
	[dreg:$0x1d] =	wrdreg s0  }
0x2c: {  	v3 =	vadd.s32 $0x7D0, v2;
	v4 =	vadd.s32 $0x7D00, v2;
	v5 =	vadd.s32 $0x84D0, v2;
	s15 =	simm.s32 $0x80;
	s26 =	simm.s32 $0x8;
	[dreg:$0x1c] =	wrdreg s6  }
.LBB2_3:
0x2d: {  	[bflag:$0x0] =	sbarrier.arrive $0xFFFF  }
0x2e: {  	s19 =	rddreg [dreg:$0x8]  }
0x2f: {  	[tilespmem:s21], [sflag:$0x1] =	stream.linear.gather [hbm4b:s19+s21], $0x8000, $0x38;
	[tilespmem:$0x15420] =	vst v63  }
0x30: {  	_ = 	snop  }
0x31: {  	[tilespmem:s30], [sflag:$0x3] =	stream.linear.gather [hbm4b:s9+s21], $0x80, $0x38;
	[tilespmem:$0x15420] =	vst v63  }
0x32: {  	s29 =	simm.s32 $0x1;
	s23 =	rddreg [dreg:$0x1f];
	s19 =	simm.s32 $0x10080  }
0x33: {  	[tilespmem:s19], [sflag:$0x4] =	stream.linear.gather [hbm4b:s23+s21], $0x80, $0x38;
	[tilespmem:$0x15420] =	vst v63  }
0x34: {  	_ =	swait.ge [sflag:s29], $0x8000  }
0x35: {  	[sflag:s29] =	ssyncset.done $0x0  }
0x36: {  	s25 =	simm.s32 $0x3;
	[sflag:s29] =	ssyncadd.s32 $0xFFFF8000  }
0x37: {  	_ =	swait.ge [sflag:s25], $0x80  }
0x38: {  	[sflag:s25] =	ssyncset.done $0x0  }
0x39: {  	s16 =	simm.s32 $0x4;
	[sflag:s25] =	ssyncadd.s32 $0xFFFFFF80  }
0x3a: {  	_ =	swait.ge [sflag:s16], $0x80  }
0x3b: {  	[sflag:s16] =	ssyncset.done $0x0  }
0x3c: {  	[sflag:s16] =	ssyncadd.s32 $0xFFFFFF80  }
0x3d: {  	[spmem:s17] =	stream.indirect.scatter.add.f32 [tilespmem:s21], [sflag:$0x8], $0x80, s30, s15, $0xb8;
	[tilespmem:$0x15420] =	vst v63  }
0x3e: {  	_ = 	snop  }
0x3f: {  	[spmem:s3] =	stream.indirect.scatter.add.f32 [tilespmem:s5], [sflag:$0x8], $0x10, s30, s15, $0xb8;
	[tilespmem:$0x15420] =	vst v63  }
0x40: {  	s20 =	simm.s32 $0x4000  }
0x41: {  	[spmem:s17] =	stream.indirect.scatter.add.f32 [tilespmem:s20], [sflag:$0x8], $0x80, s19, s15, $0xb8;
	[tilespmem:$0x15420] =	vst v63  }
0x42: {  	s13 =	rddreg [dreg:$0x9]  }
0x43: {  	[spmem:s3] =	stream.indirect.scatter.add.f32 [tilespmem:s5], [sflag:$0x8], $0x10, s19, s15, $0xb8;
	[tilespmem:$0x15420] =	vst v63  }
0x44: {  	s22 =	simm.s32 $0x8000;
	s14 =	rddreg [dreg:$0x11]  }
0x45: {  	[tilespmem:s22], [sflag:$0x2] =	stream.linear.gather [hbm4b:s13+s21], $0x8000, $0x38;
	[tilespmem:$0x15420] =	vst v63  }
0x46: {  	s10 =	simm.s32 $0x10100;
	s18 =	sld [smem:$0x7F7]  }
0x47: {  	[tilespmem:s10], [sflag:$0x5] =	stream.linear.gather [hbm4b:s14+s21], $0x80, $0x38;
	[tilespmem:$0x15420] =	vst v63  }
0x48: {  	s23 =	simm.s32 $0x2;
	s13 =	simm.s32 $0x10180  }
0x49: {  	[tilespmem:s13], [sflag:$0x6] =	stream.linear.gather [hbm4b:s18+s21], $0x80, $0x38;
	[tilespmem:$0x15420] =	vst v63  }
0x4a: {  	_ =	swait.ge [sflag:s23], $0x8000  }
0x4b: {  	[sflag:s23] =	ssyncset.done $0x0  }
0x4c: {  	s18 =	simm.s32 $0x5;
	[sflag:s23] =	ssyncadd.s32 $0xFFFF8000  }
0x4d: {  	_ =	swait.ge [sflag:s18], $0x80  }
0x4e: {  	[sflag:s18] =	ssyncset.done $0x0  }
0x4f: {  	s14 =	simm.s32 $0x6;
	[sflag:s18] =	ssyncadd.s32 $0xFFFFFF80  }
0x50: {  	_ =	swait.ge [sflag:s14], $0x80  }
0x51: {  	[sflag:s14] =	ssyncset.done $0x0  }
0x52: {  	[sflag:s14] =	ssyncadd.s32 $0xFFFFFF80  }
0x53: {  	[spmem:s17] =	stream.indirect.scatter.add.f32 [tilespmem:s22], [sflag:$0x9], $0x80, s10, s15, $0xb8;
	[tilespmem:$0x15420] =	vst v63  }
0x54: {  	_ = 	snop  }
0x55: {  	[spmem:s3] =	stream.indirect.scatter.add.f32 [tilespmem:s5], [sflag:$0x9], $0x10, s10, s15, $0xb8;
	[tilespmem:$0x15420] =	vst v63  }
0x56: {  	s11 =	simm.s32 $0xC000  }
0x57: {  	[spmem:s17] =	stream.indirect.scatter.add.f32 [tilespmem:s11], [sflag:$0x9], $0x80, s13, s15, $0xb8;
	[tilespmem:$0x15420] =	vst v63  }
0x58: {  	_ = 	snop  }
0x59: {  	[spmem:s3] =	stream.indirect.scatter.add.f32 [tilespmem:s5], [sflag:$0x9], $0x10, s13, s15, $0xb8;
	[tilespmem:$0x15420] =	vst v63  }
0x5a: {  	_ =	swait.ge [sflag:s26], $0x4000  }
0x5b: {  	[sflag:s26] =	ssyncset.done $0x0  }
0x5c: {  	[sflag:s26] =	ssyncadd.s32 $0xFFFFC000  }
0x5d: {  	_ =	swait.ge [sflag:s26], $0x800  }
0x5e: {  	[sflag:s26] =	ssyncset.done $0x0  }
0x5f: {  	[sflag:s26] =	ssyncadd.s32 $0xFFFFF800  }
0x60: {  	_ =	swait.ge [sflag:s26], $0x4000  }
0x61: {  	[sflag:s26] =	ssyncset.done $0x0  }
0x62: {  	[sflag:s26] =	ssyncadd.s32 $0xFFFFC000  }
0x63: {  	_ =	swait.ge [sflag:s26], $0x800  }
0x64: {  	[sflag:s26] =	ssyncset.done $0x0;
	s24 =	rddreg [dreg:$0xa]  }
0x65: {  	s5 =	sld [smem:$0x7F8];
	[sflag:s26] =	ssyncadd.s32 $0xFFFFF800  }
0x66: {  	[tilespmem:s21], [sflag:$0x1] =	stream.linear.gather [hbm4b:s24+s21], $0x8000, $0x38;
	[tilespmem:$0x15420] =	vst v63  }
0x67: {  	s24 =	rddreg [dreg:$0x12]  }
0x68: {  	[tilespmem:s30], [sflag:$0x3] =	stream.linear.gather [hbm4b:s24+s21], $0x80, $0x38;
	[tilespmem:$0x15420] =	vst v63  }
0x69: {  	_ = 	snop  }
0x6a: {  	[tilespmem:s19], [sflag:$0x4] =	stream.linear.gather [hbm4b:s5+s21], $0x80, $0x38;
	[tilespmem:$0x15420] =	vst v63  }
0x6b: {  	_ =	swait.ge [sflag:s29], $0x8000  }
0x6c: {  	[sflag:s29] =	ssyncset.done $0x0  }
0x6d: {  	[sflag:s29] =	ssyncadd.s32 $0xFFFF8000  }
0x6e: {  	_ =	swait.ge [sflag:s25], $0x80  }
0x6f: {  	[sflag:s25] =	ssyncset.done $0x0  }
0x70: {  	[sflag:s25] =	ssyncadd.s32 $0xFFFFFF80  }
0x71: {  	_ =	swait.ge [sflag:s16], $0x80  }
0x72: {  	[sflag:s16] =	ssyncset.done $0x0  }
0x73: {  	[sflag:s16] =	ssyncadd.s32 $0xFFFFFF80  }
0x74: {  	[spmem:s17] =	stream.indirect.scatter.add.f32 [tilespmem:s21], [sflag:$0x8], $0x80, s30, s15, $0xb8;
	[tilespmem:$0x15420] =	vst v63  }
0x75: {  	s24 =	simm.s32 $0x10200  }
0x76: {  	[spmem:s3] =	stream.indirect.scatter.add.f32 [tilespmem:s24], [sflag:$0x8], $0x10, s30, s15, $0xb8;
	[tilespmem:$0x15420] =	vst v63  }
0x77: {  	_ = 	snop  }
0x78: {  	[spmem:s17] =	stream.indirect.scatter.add.f32 [tilespmem:s20], [sflag:$0x8], $0x80, s19, s15, $0xb8;
	[tilespmem:$0x15420] =	vst v63  }
0x79: {  	_ = 	snop  }
0x7a: {  	[spmem:s3] =	stream.indirect.scatter.add.f32 [tilespmem:s24], [sflag:$0x8], $0x10, s19, s15, $0xb8;
	[tilespmem:$0x15420] =	vst v63  }
0x7b: {  	_ =	swait.ge [sflag:s28], $0x4000  }
0x7c: {  	[sflag:s28] =	ssyncset.done $0x0  }
0x7d: {  	[sflag:s28] =	ssyncadd.s32 $0xFFFFC000  }
0x7e: {  	_ =	swait.ge [sflag:s28], $0x800  }
0x7f: {  	[sflag:s28] =	ssyncset.done $0x0  }
0x80: {  	[sflag:s28] =	ssyncadd.s32 $0xFFFFF800  }
0x81: {  	_ =	swait.ge [sflag:s28], $0x4000  }
0x82: {  	[sflag:s28] =	ssyncset.done $0x0  }
0x83: {  	[sflag:s28] =	ssyncadd.s32 $0xFFFFC000  }
0x84: {  	_ =	swait.ge [sflag:s28], $0x800  }
0x85: {  	[sflag:s28] =	ssyncset.done $0x0  }
0x86: {  	s5 =	rddreg [dreg:$0xb];
	[sflag:s28] =	ssyncadd.s32 $0xFFFFF800  }
0x87: {  	[tilespmem:s22], [sflag:$0x2] =	stream.linear.gather [hbm4b:s5+s21], $0x8000, $0x38;
	[tilespmem:$0x15420] =	vst v63  }
0x88: {  	s5 =	rddreg [dreg:$0x13]  }
0x89: {  	[tilespmem:s10], [sflag:$0x5] =	stream.linear.gather [hbm4b:s5+s21], $0x80, $0x38;
	[tilespmem:$0x15420] =	vst v63  }
0x8a: {  	s5 =	sld [smem:$0x7F9];
	_ =	sdelay $0x2  }
0x8b: {  	[tilespmem:s13], [sflag:$0x6] =	stream.linear.gather [hbm4b:s5+s21], $0x80, $0x38;
	[tilespmem:$0x15420] =	vst v63  }
0x8c: {  	_ =	swait.ge [sflag:s23], $0x8000  }
0x8d: {  	[sflag:s23] =	ssyncset.done $0x0  }
0x8e: {  	[sflag:s23] =	ssyncadd.s32 $0xFFFF8000  }
0x8f: {  	_ =	swait.ge [sflag:s18], $0x80  }
0x90: {  	[sflag:s18] =	ssyncset.done $0x0  }
0x91: {  	[sflag:s18] =	ssyncadd.s32 $0xFFFFFF80  }
0x92: {  	_ =	swait.ge [sflag:s14], $0x80  }
0x93: {  	[sflag:s14] =	ssyncset.done $0x0  }
0x94: {  	[sflag:s14] =	ssyncadd.s32 $0xFFFFFF80  }
0x95: {  	[spmem:s17] =	stream.indirect.scatter.add.f32 [tilespmem:s22], [sflag:$0x9], $0x80, s10, s15, $0xb8;
	[tilespmem:$0x15420] =	vst v63  }
0x96: {  	_ = 	snop  }
0x97: {  	[spmem:s3] =	stream.indirect.scatter.add.f32 [tilespmem:s24], [sflag:$0x9], $0x10, s10, s15, $0xb8;
	[tilespmem:$0x15420] =	vst v63  }
0x98: {  	_ = 	snop  }
0x99: {  	[spmem:s17] =	stream.indirect.scatter.add.f32 [tilespmem:s11], [sflag:$0x9], $0x80, s13, s15, $0xb8;
	[tilespmem:$0x15420] =	vst v63  }
0x9a: {  	_ = 	snop  }
0x9b: {  	[spmem:s3] =	stream.indirect.scatter.add.f32 [tilespmem:s24], [sflag:$0x9], $0x10, s13, s15, $0xb8;
	[tilespmem:$0x15420] =	vst v63  }
0x9c: {  	_ =	swait.ge [sflag:s26], $0x4000  }
0x9d: {  	[sflag:s26] =	ssyncset.done $0x0  }
0x9e: {  	[sflag:s26] =	ssyncadd.s32 $0xFFFFC000  }
0x9f: {  	_ =	swait.ge [sflag:s26], $0x800  }
0xa0: {  	[sflag:s26] =	ssyncset.done $0x0  }
0xa1: {  	[sflag:s26] =	ssyncadd.s32 $0xFFFFF800  }
0xa2: {  	_ =	swait.ge [sflag:s26], $0x4000  }
0xa3: {  	[sflag:s26] =	ssyncset.done $0x0  }
0xa4: {  	[sflag:s26] =	ssyncadd.s32 $0xFFFFC000  }
0xa5: {  	_ =	swait.ge [sflag:s26], $0x800  }
0xa6: {  	[sflag:s26] =	ssyncset.done $0x0  }
0xa7: {  	s5 =	rddreg [dreg:$0xc];
	[sflag:s26] =	ssyncadd.s32 $0xFFFFF800  }
0xa8: {  	[tilespmem:s21], [sflag:$0x1] =	stream.linear.gather [hbm4b:s5+s21], $0x8000, $0x38;
	[tilespmem:$0x15420] =	vst v63  }
0xa9: {  	s5 =	sld [smem:$0x7FA]  }
0xaa: {  	[tilespmem:s30], [sflag:$0x3] =	stream.linear.gather [hbm4b:s12+s21], $0x80, $0x38;
	[tilespmem:$0x15420] =	vst v63  }
0xab: {  	_ = 	snop  }
0xac: {  	[tilespmem:s19], [sflag:$0x4] =	stream.linear.gather [hbm4b:s5+s21], $0x80, $0x38;
	[tilespmem:$0x15420] =	vst v63  }
0xad: {  	_ =	swait.ge [sflag:s29], $0x8000  }
0xae: {  	[sflag:s29] =	ssyncset.done $0x0  }
0xaf: {  	[sflag:s29] =	ssyncadd.s32 $0xFFFF8000  }
0xb0: {  	_ =	swait.ge [sflag:s25], $0x80  }
0xb1: {  	[sflag:s25] =	ssyncset.done $0x0  }
0xb2: {  	[sflag:s25] =	ssyncadd.s32 $0xFFFFFF80  }
0xb3: {  	_ =	swait.ge [sflag:s16], $0x80  }
0xb4: {  	[sflag:s16] =	ssyncset.done $0x0  }
0xb5: {  	[sflag:s16] =	ssyncadd.s32 $0xFFFFFF80  }
0xb6: {  	[spmem:s17] =	stream.indirect.scatter.add.f32 [tilespmem:s21], [sflag:$0x8], $0x80, s30, s15, $0xb8;
	[tilespmem:$0x15420] =	vst v63  }
0xb7: {  	_ = 	snop  }
0xb8: {  	[spmem:s3] =	stream.indirect.scatter.add.f32 [tilespmem:s24], [sflag:$0x8], $0x10, s30, s15, $0xb8;
	[tilespmem:$0x15420] =	vst v63  }
0xb9: {  	_ = 	snop  }
0xba: {  	[spmem:s17] =	stream.indirect.scatter.add.f32 [tilespmem:s20], [sflag:$0x8], $0x80, s19, s15, $0xb8;
	[tilespmem:$0x15420] =	vst v63  }
0xbb: {  	_ = 	snop  }
0xbc: {  	[spmem:s3] =	stream.indirect.scatter.add.f32 [tilespmem:s24], [sflag:$0x8], $0x10, s19, s15, $0xb8;
	[tilespmem:$0x15420] =	vst v63  }
0xbd: {  	_ =	swait.ge [sflag:s28], $0x4000  }
0xbe: {  	[sflag:s28] =	ssyncset.done $0x0  }
0xbf: {  	[sflag:s28] =	ssyncadd.s32 $0xFFFFC000  }
0xc0: {  	_ =	swait.ge [sflag:s28], $0x800  }
0xc1: {  	[sflag:s28] =	ssyncset.done $0x0  }
0xc2: {  	[sflag:s28] =	ssyncadd.s32 $0xFFFFF800  }
0xc3: {  	_ =	swait.ge [sflag:s28], $0x4000  }
0xc4: {  	[sflag:s28] =	ssyncset.done $0x0  }
0xc5: {  	[sflag:s28] =	ssyncadd.s32 $0xFFFFC000  }
0xc6: {  	_ =	swait.ge [sflag:s28], $0x800  }
0xc7: {  	[sflag:s28] =	ssyncset.done $0x0  }
0xc8: {  	s5 =	rddreg [dreg:$0xd];
	[sflag:s28] =	ssyncadd.s32 $0xFFFFF800  }
0xc9: {  	[tilespmem:s22], [sflag:$0x2] =	stream.linear.gather [hbm4b:s5+s21], $0x8000, $0x38;
	[tilespmem:$0x15420] =	vst v63  }
0xca: {  	s5 =	rddreg [dreg:$0x15]  }
0xcb: {  	[tilespmem:s10], [sflag:$0x5] =	stream.linear.gather [hbm4b:s5+s21], $0x80, $0x38;
	[tilespmem:$0x15420] =	vst v63  }
0xcc: {  	s5 =	sld [smem:$0x7FB];
	_ =	sdelay $0x2  }
0xcd: {  	[tilespmem:s13], [sflag:$0x6] =	stream.linear.gather [hbm4b:s5+s21], $0x80, $0x38;
	[tilespmem:$0x15420] =	vst v63  }
0xce: {  	_ =	swait.ge [sflag:s23], $0x8000  }
0xcf: {  	[sflag:s23] =	ssyncset.done $0x0  }
0xd0: {  	[sflag:s23] =	ssyncadd.s32 $0xFFFF8000  }
0xd1: {  	_ =	swait.ge [sflag:s18], $0x80  }
0xd2: {  	[sflag:s18] =	ssyncset.done $0x0  }
0xd3: {  	[sflag:s18] =	ssyncadd.s32 $0xFFFFFF80  }
0xd4: {  	_ =	swait.ge [sflag:s14], $0x80  }
0xd5: {  	[sflag:s14] =	ssyncset.done $0x0  }
0xd6: {  	[sflag:s14] =	ssyncadd.s32 $0xFFFFFF80  }
0xd7: {  	[spmem:s17] =	stream.indirect.scatter.add.f32 [tilespmem:s22], [sflag:$0x9], $0x80, s10, s15, $0xb8;
	[tilespmem:$0x15420] =	vst v63  }
0xd8: {  	_ = 	snop  }
0xd9: {  	[spmem:s3] =	stream.indirect.scatter.add.f32 [tilespmem:s24], [sflag:$0x9], $0x10, s10, s15, $0xb8;
	[tilespmem:$0x15420] =	vst v63  }
0xda: {  	_ = 	snop  }
0xdb: {  	[spmem:s17] =	stream.indirect.scatter.add.f32 [tilespmem:s11], [sflag:$0x9], $0x80, s13, s15, $0xb8;
	[tilespmem:$0x15420] =	vst v63  }
0xdc: {  	_ = 	snop  }
0xdd: {  	[spmem:s3] =	stream.indirect.scatter.add.f32 [tilespmem:s24], [sflag:$0x9], $0x10, s13, s15, $0xb8;
	[tilespmem:$0x15420] =	vst v63  }
0xde: {  	_ =	swait.ge [sflag:s26], $0x4000  }
0xdf: {  	[sflag:s26] =	ssyncset.done $0x0  }
0xe0: {  	[sflag:s26] =	ssyncadd.s32 $0xFFFFC000  }
0xe1: {  	_ =	swait.ge [sflag:s26], $0x800  }
0xe2: {  	[sflag:s26] =	ssyncset.done $0x0  }
0xe3: {  	[sflag:s26] =	ssyncadd.s32 $0xFFFFF800  }
0xe4: {  	_ =	swait.ge [sflag:s26], $0x4000  }
0xe5: {  	[sflag:s26] =	ssyncset.done $0x0  }
0xe6: {  	[sflag:s26] =	ssyncadd.s32 $0xFFFFC000  }
0xe7: {  	_ =	swait.ge [sflag:s26], $0x800  }
0xe8: {  	[sflag:s26] =	ssyncset.done $0x0  }
0xe9: {  	[sflag:s26] =	ssyncadd.s32 $0xFFFFF800  }
0xea: {  	[tilespmem:s21], [sflag:$0x1] =	stream.linear.gather [hbm4b:s2+s21], $0x8000, $0x38;
	[tilespmem:$0x15420] =	vst v63  }
0xeb: {  	s5 =	rddreg [dreg:$0x16]  }
0xec: {  	[tilespmem:s30], [sflag:$0x3] =	stream.linear.gather [hbm4b:s5+s21], $0x80, $0x38;
	[tilespmem:$0x15420] =	vst v63  }
0xed: {  	s5 =	sld [smem:$0x7FC];
	_ =	sdelay $0x2  }
0xee: {  	[tilespmem:s19], [sflag:$0x4] =	stream.linear.gather [hbm4b:s5+s21], $0x80, $0x38;
	[tilespmem:$0x15420] =	vst v63  }
0xef: {  	_ =	swait.ge [sflag:s29], $0x8000  }
0xf0: {  	[sflag:s29] =	ssyncset.done $0x0  }
0xf1: {  	[sflag:s29] =	ssyncadd.s32 $0xFFFF8000  }
0xf2: {  	_ =	swait.ge [sflag:s25], $0x80  }
0xf3: {  	[sflag:s25] =	ssyncset.done $0x0  }
0xf4: {  	[sflag:s25] =	ssyncadd.s32 $0xFFFFFF80  }
0xf5: {  	_ =	swait.ge [sflag:s16], $0x80  }
0xf6: {  	[sflag:s16] =	ssyncset.done $0x0  }
0xf7: {  	[sflag:s16] =	ssyncadd.s32 $0xFFFFFF80  }
0xf8: {  	[spmem:s17] =	stream.indirect.scatter.add.f32 [tilespmem:s21], [sflag:$0x8], $0x80, s30, s15, $0xb8;
	[tilespmem:$0x15420] =	vst v63  }
0xf9: {  	_ = 	snop  }
0xfa: {  	[spmem:s3] =	stream.indirect.scatter.add.f32 [tilespmem:s24], [sflag:$0x8], $0x10, s30, s15, $0xb8;
	[tilespmem:$0x15420] =	vst v63  }
0xfb: {  	_ = 	snop  }
0xfc: {  	[spmem:s17] =	stream.indirect.scatter.add.f32 [tilespmem:s20], [sflag:$0x8], $0x80, s19, s15, $0xb8;
	[tilespmem:$0x15420] =	vst v63  }
0xfd: {  	_ = 	snop  }
0xfe: {  	[spmem:s3] =	stream.indirect.scatter.add.f32 [tilespmem:s24], [sflag:$0x8], $0x10, s19, s15, $0xb8;
	[tilespmem:$0x15420] =	vst v63  }
0xff: {  	_ =	swait.ge [sflag:s28], $0x4000  }
0x100: {  	[sflag:s28] =	ssyncset.done $0x0  }
0x101: {  	[sflag:s28] =	ssyncadd.s32 $0xFFFFC000  }
0x102: {  	_ =	swait.ge [sflag:s28], $0x800  }
0x103: {  	[sflag:s28] =	ssyncset.done $0x0  }
0x104: {  	[sflag:s28] =	ssyncadd.s32 $0xFFFFF800  }
0x105: {  	_ =	swait.ge [sflag:s28], $0x4000  }
0x106: {  	[sflag:s28] =	ssyncset.done $0x0  }
0x107: {  	[sflag:s28] =	ssyncadd.s32 $0xFFFFC000  }
0x108: {  	_ =	swait.ge [sflag:s28], $0x800  }
0x109: {  	[sflag:s28] =	ssyncset.done $0x0  }
0x10a: {  	s25 =	rddreg [dreg:$0xf];
	[sflag:s28] =	ssyncadd.s32 $0xFFFFF800  }
0x10b: {  	[tilespmem:s22], [sflag:$0x2] =	stream.linear.gather [hbm4b:s25+s21], $0x8000, $0x38;
	[tilespmem:$0x15420] =	vst v63  }
0x10c: {  	s29 =	sld [smem:$0x7FD]  }
0x10d: {  	[tilespmem:s10], [sflag:$0x5] =	stream.linear.gather [hbm4b:s7+s21], $0x80, $0x38;
	[tilespmem:$0x15420] =	vst v63  }
0x10e: {  	_ = 	snop  }
0x10f: {  	[tilespmem:s13], [sflag:$0x6] =	stream.linear.gather [hbm4b:s29+s21], $0x80, $0x38;
	[tilespmem:$0x15420] =	vst v63  }
0x110: {  	_ =	swait.ge [sflag:s23], $0x8000  }
0x111: {  	[sflag:s23] =	ssyncset.done $0x0  }
0x112: {  	[sflag:s23] =	ssyncadd.s32 $0xFFFF8000  }
0x113: {  	_ =	swait.ge [sflag:s18], $0x80  }
0x114: {  	[sflag:s18] =	ssyncset.done $0x0  }
0x115: {  	[sflag:s18] =	ssyncadd.s32 $0xFFFFFF80  }
0x116: {  	_ =	swait.ge [sflag:s14], $0x80  }
0x117: {  	[sflag:s14] =	ssyncset.done $0x0  }
0x118: {  	[sflag:s14] =	ssyncadd.s32 $0xFFFFFF80  }
0x119: {  	[spmem:s17] =	stream.indirect.scatter.add.f32 [tilespmem:s22], [sflag:$0x9], $0x80, s10, s15, $0xb8;
	[tilespmem:$0x15420] =	vst v63  }
0x11a: {  	s5 =	simm.s32 $0x10200  }
0x11b: {  	[spmem:s3] =	stream.indirect.scatter.add.f32 [tilespmem:s5], [sflag:$0x9], $0x10, s10, s15, $0xb8;
	[tilespmem:$0x15420] =	vst v63  }
0x11c: {  	_ = 	snop  }
0x11d: {  	[spmem:s17] =	stream.indirect.scatter.add.f32 [tilespmem:s11], [sflag:$0x9], $0x80, s13, s15, $0xb8;
	[tilespmem:$0x15420] =	vst v63  }
0x11e: {  	_ = 	snop  }
0x11f: {  	[spmem:s3] =	stream.indirect.scatter.add.f32 [tilespmem:s5], [sflag:$0x9], $0x10, s13, s15, $0xb8;
	[tilespmem:$0x15420] =	vst v63  }
0x120: {  	_ =	swait.ge [sflag:s26], $0x4000  }
0x121: {  	[sflag:s26] =	ssyncset.done $0x0  }
0x122: {  	[sflag:s26] =	ssyncadd.s32 $0xFFFFC000  }
0x123: {  	_ =	swait.ge [sflag:s26], $0x800  }
0x124: {  	[sflag:s26] =	ssyncset.done $0x0  }
0x125: {  	[sflag:s26] =	ssyncadd.s32 $0xFFFFF800  }
0x126: {  	_ =	swait.ge [sflag:s26], $0x4000  }
0x127: {  	[sflag:s26] =	ssyncset.done $0x0  }
0x128: {  	[sflag:s26] =	ssyncadd.s32 $0xFFFFC000  }
0x129: {  	_ =	swait.ge [sflag:s26], $0x800  }
0x12a: {  	[sflag:s26] =	ssyncset.done $0x0  }
0x12b: {  	[sflag:s26] =	ssyncadd.s32 $0xFFFFF800  }
0x12c: {  	_ =	swait.ge [sflag:s28], $0x4000  }
0x12d: {  	[sflag:s28] =	ssyncset.done $0x0  }
0x12e: {  	[sflag:s28] =	ssyncadd.s32 $0xFFFFC000  }
0x12f: {  	_ =	swait.ge [sflag:s28], $0x800  }
0x130: {  	[sflag:s28] =	ssyncset.done $0x0  }
0x131: {  	[sflag:s28] =	ssyncadd.s32 $0xFFFFF800  }
0x132: {  	_ =	swait.ge [sflag:s28], $0x4000  }
0x133: {  	[sflag:s28] =	ssyncset.done $0x0  }
0x134: {  	[sflag:s28] =	ssyncadd.s32 $0xFFFFC000  }
0x135: {  	_ =	swait.ge [sflag:s28], $0x800  }
0x136: {  	[sflag:s28] =	ssyncset.done $0x0  }
0x137: {  	[sflag:s28] =	ssyncadd.s32 $0xFFFFF800  }
0x138: {  	[bflag:$0x0] =	sbarrier.arrive $0xFFFF  }
0x139: {  	s10 =	sld [smem:$0x7F5];
	_ =	sdelay $0x1  }
0x13a: {  	s11 =	simm.s32 @!p0 $0x1C0A  }
0x13b: {  	[hbm:s6], [sflag:s11] =	dma.local @!p0 [spmem:s10], $0x200  }
0x13c: {  	s10 =	simm.s32 @!p0 $0xA  }
0x13d: {  	_ =	swait.ge @!p0 [sflag:s10], $0x200  }
0x13e: {  	s8 =	sadd.s32 $0xFFFFFFFF, s8;
	s13 =	sld [smem:$0x7F6]  }
0x13f: {  	p2 =	sne.s32 s8, $0x0;
	[sflag:s10] =	ssyncset.done @!p0 $0x0  }
.Ltmp1:
0x140: {  	[sflag:s10] =	ssyncadd.s32 @!p0 $0xFFFFFE00;
	(pc) =	sbr.rel @!p2 .LBB2_4-.Ltmp1, $4  }
0x141: {  	[hbm:s0], [sflag:s11] =	dma.local @!p0 [spmem:s13], $0x200  }
0x142: {  	_ =	swait.ge @!p0 [sflag:s10], $0x200  }
0x143: {  	[sflag:s10] =	ssyncset.done @!p0 $0x0  }
0x144: {  	[sflag:s10] =	ssyncadd.s32 @!p0 $0xFFFFFE00  }
.LBB2_1:
0x145: {  	s10 =	sshrl.u32 @!p0 s17, $0x3  }
0x146: {  	s11 =	simm.s32 @!p0 $0x1C0A;
	[smem:$0x7F5] =	sst s10  }
0x147: {  	[spmem:s10], [sflag:s11] =	dma.local @!p0 [hbm:s4], $0x200  }
0x148: {  	s10 =	simm.s32 @!p0 $0xA  }
0x149: {  	_ =	swait.ge @!p0 [sflag:s10], $0x200  }
0x14a: {  	s13 =	sshrl.u32 @!p0 s3, $0x3;
	[sflag:s10] =	ssyncset.done @!p0 $0x0  }
0x14b: {  	[smem:$0x7F6] =	sst s13;
	[sflag:s10] =	ssyncadd.s32 @!p0 $0xFFFFFE00  }
0x14c: {  	[spmem:s13], [sflag:s11] =	dma.local @!p0 [hbm:s1], $0x200  }
0x14d: {  	_ =	swait.ge @!p0 [sflag:s10], $0x200  }
0x14e: {  	[sflag:s10] =	ssyncset.done @!p0 $0x0  }
.Ltmp2:
0x14f: {  	s24 =	simm.s32 $0xA;
	[sflag:s10] =	ssyncadd.s32 @!p0 $0xFFFFFE00;
	(pc) =	sbr.rel @p1 .LBB2_3-.Ltmp2, $4  }
0x150: {  	[tilespmem:s5], [sflag:$0xA] =	stream.linear.gather [hbm4b:s31+s21], $0x4000, $0x38;
	[tilespmem:$0x15420] =	vst v63  }
0x151: {  	_ =	swait.ge [sflag:s24], $0x4000  }
0x152: {  	[sflag:s24] =	ssyncset.done $0x0  }
0x153: {  	[sflag:s24] =	ssyncadd.s32 $0xFFFFC000  }
0x154: {  	s0 =	rddreg [dreg:$0x3];
	s3 =	simm.s32 $0x14320;
	s11 =	simm.s32 $0xA  }
0x155: {  	[tilespmem:s3], [sflag:$0xA] =	stream.linear.gather [hbm4b:s0+s21], $0x80, $0x38;
	[tilespmem:$0x15420] =	vst v63  }
0x156: {  	_ =	swait.ge [sflag:s11], $0x80  }
0x157: {  	[sflag:s11] =	ssyncset.done $0x0  }
0x158: {  	[sflag:s11] =	ssyncadd.s32 $0xFFFFFF80  }
0x159: {  	v6 =	vld [tilespmem:$0x14320];
	_ =	sdelay $0x4  }
0x15a: {  	(v2sf) =	vpush v6, $0xD;
	_ =	sdelay $0x1  }
0x15b: {  	(v2sf) =	vpush v6, $0xC;
	_ =	sdelay $0x1  }
0x15c: {  	(v2sf) =	vpush v6, $0xE;
	_ =	sdelay $0x1  }
0x15d: {  	(v2sf) =	vpush v6, $0xF;
	_ =	sdelay $0x1  }
0x15e: {  	(v2sf) =	vpush v6, $0x9  }
0x15f: {  	(v2sf) =	vpush v6, $0x8;
	_ =	sdelay $0x1  }
0x160: {  	(v2sf) =	vpush v6, $0xA;
	_ =	sdelay $0x2  }
0x161: {  	(v2sf) =	vpush v6, $0xB  }
0x162: {  	s12 =	spop (v2sf)  }
0x163: {  	s16 =	smulhi.u32 $0x10624DD3, s12;
	s0 =	sshra.s32 s12, $0x1F  }
0x164: {  	(v2sf) =	vpush v6, $0x0;
	s13 =	spop (v2sf);
	s7 =	smul.u32 $0x10624DD3, s0  }
0x165: {  	s17 =	smulhi.u32 $0x10624DD3, s13;
	s0 =	sshra.s32 s13, $0x1F  }
0x166: {  	(v2sf) =	vpush v6, $0x1;
	s14 =	spop (v2sf);
	s3 =	smul.u32 $0x10624DD3, s0  }
0x167: {  	s24 =	smulhi.u32 $0x10624DD3, s14;
	s0 =	sshra.s32 s14, $0x1F  }
0x168: {  	(v2sf) =	vpush v6, $0x2;
	s18 =	spop (v2sf);
	s6 =	smul.u32 $0x10624DD3, s0  }
0x169: {  	[dreg:$0x1e] =	wrdreg s8;
	s5 =	smulhi.u32 $0x10624DD3, s18;
	s0 =	sshra.s32 s18, $0x1F  }
0x16a: {  	(v2sf) =	vpush v6, $0x3;
	s19 =	spop (v2sf);
	s11 =	smul.u32 $0x10624DD3, s0  }
0x16b: {  	s20 =	smulhi.u32 $0x10624DD3, s19;
	s0 =	sshra.s32 s19, $0x1F;
	s22 =	spop (v2sf)  }
0x16c: {  	(v2sf) =	vpush v6, $0x4;
	s3 =	sadd.s32 s3, s17;
	[smem:$0x7D1] =	sst s5;
	s2 =	smul.u32 $0x10624DD3, s0  }
0x16d: {  	s23 =	smulhi.u32 $0x10624DD3, s22;
	s0 =	sshra.s32 s22, $0x1F;
	s25 =	spop (v2sf)  }
0x16e: {  	(v2sf) =	vpush v6, $0x5;
	[smem:$0x7E3] =	sst s3;
	s1 =	smul.u32 $0x10624DD3, s0  }
0x16f: {  	[smem:$0x7D2] =	sst s20;
	s29 =	smulhi.u32 $0x10624DD3, s25  }
0x170: {  	(v2sf) =	vpush v6, $0x6;
	s0 =	sshra.s32 s25, $0x1F;
	s4 =	spop (v2sf);
	s17 =	sld [smem:$0x7D1]  }
0x171: {  	[smem:$0x7D3] =	sst s23;
	s12 =	smul.u32 $0x10624DD3, s0  }
0x172: {  	s9 =	smulhi.u32 $0x10624DD3, s4;
	s0 =	sshra.s32 s4, $0x1F;
	[smem:$0x7D4] =	sst s29  }
0x173: {  	(v2sf) =	vpush v6, $0x7;
	s20 =	smul.u32 $0x10624DD3, s0;
	s10 =	spop (v2sf)  }
0x174: {  	v7 =	vld [tilespmem:$0x14330];
	[smem:$0x7D5] =	sst s9;
	s13 =	smulhi.u32 $0x10624DD3, s10;
	s0 =	sshra.s32 s10, $0x1F  }
0x175: {  	s14 =	spop (v2sf);
	s18 =	smul.u32 $0x10624DD3, s0  }
0x176: {  	s3 =	sld [smem:$0x7D4];
	s19 =	smulhi.u32 $0x10624DD3, s14;
	s0 =	sshra.s32 s14, $0x1F  }
0x177: {  	s22 =	spop (v2sf);
	s14 =	smul.u32 $0x10624DD3, s0  }
0x178: {  	[smem:$0x7D6] =	sst s13;
	s23 =	smulhi.u32 $0x10624DD3, s22;
	s0 =	sshra.s32 s22, $0x1F  }
0x179: {  	(v2sf) =	vpush v7, $0xD;
	s25 =	spop (v2sf);
	s10 =	smul.u32 $0x10624DD3, s0  }
0x17a: {  	[smem:$0x7D7] =	sst s19;
	s29 =	smulhi.u32 $0x10624DD3, s25;
	s0 =	sshra.s32 s25, $0x1F  }
0x17b: {  	(v2sf) =	vpush v7, $0xC;
	s9 =	spop (v2sf);
	s8 =	smul.u32 $0x10624DD3, s0  }
0x17c: {  	[smem:$0x7D8] =	sst s23;
	s4 =	smulhi.u32 $0x10624DD3, s9;
	s9 =	sshra.s32 s9, $0x1F  }
0x17d: {  	s22 =	spop (v2sf);
	s13 =	smul.u32 $0x10624DD3, s9  }
0x17e: {  	s23 =	sadd.s32 s7, s16;
	[smem:$0x7D9] =	sst s29;
	s5 =	smulhi.u32 $0x10624DD3, s22  }
0x17f: {  	s9 =	spop (v2sf);
	[smem:$0x7E2] =	sst s23  }
0x180: {  	(v2sf) =	vpush v7, $0xE;
	s22 =	sshra.s32 s22, $0x1F;
	[smem:$0x7DA] =	sst s4;
	s4 =	smulhi.u32 $0x10624DD3, s9  }
0x181: {  	s0 =	sshra.s32 s9, $0x1F;
	[smem:$0x7DB] =	sst s5;
	s5 =	smul.u32 $0x10624DD3, s22  }
0x182: {  	(v2sf) =	vpush v7, $0xF;
	s19 =	spop (v2sf);
	s25 =	smul.u32 $0x10624DD3, s0  }
0x183: {  	(v2sf) =	vpush v7, $0x9;
	s9 =	sadd.s32 s6, s24;
	s22 =	smulhi.u32 $0x10624DD3, s19;
	s0 =	sshra.s32 s19, $0x1F  }
0x184: {  	(v2sf) =	vpush v7, $0x8;
	s19 =	smul.u32 $0x10624DD3, s0;
	s0 =	sadd.s32 s11, s17;
	s11 =	sld [smem:$0x7D6]  }
0x185: {  	[smem:$0x7E4] =	sst s9  }
0x186: {  	[smem:$0x7DC] =	sst s4  }
0x187: {  	(v2sf) =	vpush v7, $0xA;
	s18 =	sadd.s32 s18, s11;
	s11 =	sld [smem:$0x7D9]  }
0x188: {  	[smem:$0x7DD] =	sst s22;
	s29 =	spop (v2sf)  }
0x189: {  	[smem:$0x7E5] =	sst s0;
	s4 =	smulhi.u32 $0x10624DD3, s29;
	s29 =	sshra.s32 s29, $0x1F  }
0x18a: {  	s8 =	sadd.s32 s8, s11;
	s23 =	spop (v2sf);
	s29 =	smul.u32 $0x10624DD3, s29  }
0x18b: {  	s11 =	sld [smem:$0x7DC];
	s7 =	smulhi.u32 $0x10624DD3, s23;
	s23 =	sshra.s32 s23, $0x1F  }
0x18c: {  	s16 =	smul.u32 $0x10624DD3, s23;
	s23 =	sld [smem:$0x7D2]  }
0x18d: {  	[smem:$0x7DE] =	sst s29  }
0x18e: {  	[smem:$0x7DF] =	sst s7  }
0x18f: {  	(v2sf) =	vpush v7, $0xB;
	s30 =	spop (v2sf);
	s29 =	sld [smem:$0x7D3]  }
0x190: {  	s22 =	smulhi.u32 $0x10624DD3, s30;
	s7 =	sld [smem:$0x7D5]  }
0x191: {  	s24 =	spop (v2sf);
	[smem:$0x7E0] =	sst s16  }
0x192: {  	s9 =	sadd.s32 s12, s3;
	s6 =	spop (v2sf);
	[smem:$0x7E1] =	sst s22  }
0x193: {  	(v2sf) =	vpush v7, $0x0;
	s3 =	smulhi.u32 $0x10624DD3, s6;
	s17 =	sshra.s32 s6, $0x1F;
	s12 =	spop (v2sf)  }
0x194: {  	s0 =	sshra.s32 s24, $0x1F;
	s16 =	sld [smem:$0x7D7];
	s17 =	smul.u32 $0x10624DD3, s17  }
0x195: {  	s23 =	sadd.s32 s2, s23;
	s22 =	sadd.s32 s1, s29;
	s29 =	smulhi.u32 $0x10624DD3, s24  }
0x196: {  	s6 =	sshra.s32 s12, $0x1F;
	s2 =	spop (v2sf);
	s1 =	smul.u32 $0x10624DD3, s0  }
0x197: {  	s20 =	sadd.s32 s20, s7;
	s7 =	smulhi.u32 $0x10624DD3, s12;
	s24 =	sld [smem:$0x7D8]  }
0x198: {  	s6 =	smul.u32 $0x10624DD3, s6;
	s12 =	sld [smem:$0x7DA]  }
0x199: {  	(v2sf) =	vpush v7, $0x1;
	s14 =	sadd.s32 s14, s16;
	s16 =	sshra.s32 s2, $0x1F;
	s3 =	sadd.s32 s17, s3  }
0x19a: {  	s16 =	smul.u32 $0x10624DD3, s16;
	[smem:$0x7F2] =	sst s3  }
0x19b: {  	(v2sf) =	vpush v7, $0x2;
	s10 =	sadd.s32 s10, s24;
	s24 =	smulhi.u32 $0x10624DD3, s2;
	s2 =	sld [smem:$0x7DB]  }
0x19c: {  	s1 =	sadd.s32 s1, s29;
	s13 =	sadd.s32 s13, s12;
	s12 =	sld [smem:$0x7DD]  }
0x19d: {  	(v2sf) =	vpush v7, $0x3;
	s7 =	sadd.s32 s6, s7;
	[smem:$0x7ED] =	sst s1  }
0x19e: {  	s31 =	spop (v2sf);
	[smem:$0x7F0] =	sst s7;
	s24 =	sadd.s32 s16, s24  }
0x19f: {  	s5 =	sadd.s32 s5, s2;
	s0 =	sadd.s32 s19, s12;
	s19 =	sld [smem:$0x7DE]  }
0x1a0: {  	s2 =	smulhi.u32 $0x10624DD3, s31;
	s31 =	sshra.s32 s31, $0x1F;
	[smem:$0x7F3] =	sst s24  }
0x1a1: {  	s25 =	sadd.s32 s25, s11;
	s31 =	smul.u32 $0x10624DD3, s31;
	[smem:$0x7E6] =	sst s0  }
0x1a2: {  	s11 =	spop (v2sf);
	s0 =	sadd.s32 s19, s4;
	s4 =	sld [smem:$0x7E0]  }
0x1a3: {  	s12 =	smulhi.u32 $0x10624DD3, s11;
	[smem:$0x7E8] =	sst s0  }
0x1a4: {  	s11 =	sshra.s32 s11, $0x1F;
	s2 =	sadd.s32 s31, s2;
	s0 =	sld [smem:$0x7DF]  }
0x1a5: {  	s31 =	sshrl.u32 s20, $0x1F;
	s20 =	sshra.s32 s20, $0x7;
	[smem:$0x7F4] =	sst s2  }
0x1a6: {  	s30 =	sshra.s32 s30, $0x1F;
	s11 =	smul.u32 $0x10624DD3, s11;
	[smem:$0x7EC] =	sst s20  }
0x1a7: {  	s30 =	smul.u32 $0x10624DD3, s30;
	s0 =	sadd.s32 s4, s0;
	s4 =	sld [smem:$0x7E1]  }
0x1a8: {  	s19 =	spop (v2sf);
	s16 =	sadd.s32 s11, s12;
	s11 =	sld [smem:$0x7E5]  }
0x1a9: {  	[smem:$0x7E9] =	sst s0;
	s0 =	smulhi.u32 $0x10624DD3, s19;
	s19 =	sshra.s32 s19, $0x1F  }
0x1aa: {  	s19 =	smul.u32 $0x10624DD3, s19;
	s4 =	sadd.s32 s30, s4;
	s30 =	spop (v2sf)  }
0x1ab: {  	[smem:$0x7EB] =	sst s4;
	s1 =	smulhi.u32 $0x10624DD3, s30;
	s4 =	sshra.s32 s30, $0x1F  }
0x1ac: {  	s29 =	spop (v2sf);
	s0 =	sadd.s32 s19, s0;
	s3 =	smul.u32 $0x10624DD3, s4  }
0x1ad: {  	(v2sf) =	vpush v7, $0x4;
	s6 =	smulhi.u32 $0x10624DD3, s29;
	[smem:$0x7EE] =	sst s0  }
0x1ae: {  	(v2sf) =	vpush v7, $0x5;
	s17 =	sshra.s32 s29, $0x1F;
	s1 =	sadd.s32 s3, s1;
	s3 =	sld [smem:$0x7E2]  }
0x1af: {  	s4 =	sld [smem:$0x7E3];
	s29 =	smul.u32 $0x10624DD3, s17  }
0x1b0: {  	s24 =	sshrl.u32 s23, $0x1F;
	[smem:$0x7EF] =	sst s1  }
0x1b1: {  	s2 =	sadd.s32 s29, s6;
	s6 =	sld [smem:$0x7E4];
	s0 =	sshra.s32 s3, $0x7  }
0x1b2: {  	s20 =	sshra.s32 s8, $0x7;
	(v2sf) =	vpush v7, $0x6;
	[smem:$0x7E7] =	sst s0;
	s0 =	sshra.s32 s11, $0x7  }
0x1b3: {  	(v2sf) =	vpush v7, $0x7;
	s19 =	sshrl.u32 s11, $0x1F;
	s30 =	sshra.s32 s14, $0x7;
	[smem:$0x7EA] =	sst s0  }
0x1b4: {  	s12 =	sshrl.u32 s4, $0x1F;
	s7 =	sshra.s32 s4, $0x7;
	s0 =	sld [smem:$0x7E6]  }
0x1b5: {  	s4 =	sshrl.u32 s18, $0x1F;
	[smem:$0x7F1] =	sst s2;
	s2 =	sshra.s32 s22, $0x7  }
0x1b6: {  	v10 =	vmov s4;
	s4 =	sshrl.u32 s8, $0x1F;
	s1 =	sshrl.u32 s3, $0x1F;
	s3 =	sshra.s32 s9, $0x7  }
0x1b7: {  	vm9 =	vcmask $0x704;
	v9 =	vmov s12;
	s17 =	sshrl.u32 s6, $0x1F;
	s11 =	sshra.s32 s23, $0x7;
	s29 =	sshra.s32 s0, $0x1F  }
0x1b8: {  	vm10 =	vcmask $0xF0C;
	s23 =	sshrl.u32 s22, $0x1F;
	s22 =	sshrl.u32 s9, $0x1F;
	s9 =	sshra.s32 s18, $0x7;
	v9 =	vsel vm0, s1, v9;
	v8 =	vmov s29  }
0x1b9: {  	s8 =	sshra.s32 s8, $0x1F;
	v13 =	vmov s2;
	s18 =	sshra.s32 s18, $0x1F;
	s1 =	sshra.s32 s5, $0x1F;
	v9 =	vsel vm1, s17, v9;
	v8 =	vsel vm3, s9, v8  }
0x1ba: {  	s17 =	sshra.s32 s13, $0x7;
	v13 =	vsel vm0, s11, v13;
	s11 =	sld [smem:$0x7EB];
	v50 =	vsel vm2, s19, v9;
	s19 =	sshra.s32 s5, $0x7;
	v8 =	vsel vm9, s18, v8  }
0x1bb: {  	v12 =	vmov s7;
	v10 =	vnsel vm3, $0x0, v10;
	s7 =	sshra.s32 s0, $0x7;
	s29 =	sshrl.u32 s14, $0x1F;
	s14 =	sshra.s32 s14, $0x1F;
	v8 =	vsel vm0, s30, v8  }
0x1bc: {  	s9 =	sshra.s32 s10, $0x7;
	v10 =	vsel vm0, s29, v10;
	s29 =	spop (v2sf);
	s18 =	sshrl.u32 s10, $0x1F;
	v11 =	vsel vm10, s14, v8  }
0x1bd: {  	v53 =	vmov s23;
	s10 =	sshra.s32 s10, $0x1F;
	s12 =	sshra.s32 s29, $0x1F;
	s23 =	spop (v2sf);
	v51 =	vsel vm1, s18, v10;
	v52 =	vsel vm1, s9, v11  }
0x1be: {  	s18 =	smulhi.u32 $0x10624DD3, s23;
	s14 =	sshrl.u32 s13, $0x1F;
	s13 =	sshra.s32 s13, $0x1F;
	v9 =	vsel vm2, s4, v51;
	v10 =	vsel vm11, s10, v52  }
0x1bf: {  	s4 =	smulhi.u32 $0x10624DD3, s29;
	s9 =	sshrl.u32 s5, $0x1F;
	v11 =	vsel vm0, s24, v53;
	v9 =	vsel vm4, s14, v9;
	s24 =	sshrl.u32 s25, $0x1F;
	v10 =	vsel vm2, s20, v10  }
0x1c0: {  	s10 =	smul.u32 $0x10624DD3, s12;
	v9 =	vsel vm5, s9, v9;
	s9 =	sshra.s32 s25, $0x1F;
	s20 =	sld [smem:$0x7E7];
	v10 =	vsel vm12, s8, v10  }
0x1c1: {  	s12 =	spop (v2sf);
	s8 =	sshra.s32 s25, $0x7;
	s25 =	sshra.s32 s23, $0x1F;
	v10 =	vsel vm4, s17, v10  }
0x1c2: {  	s29 =	sshrl.u32 s0, $0x1F;
	s17 =	spop (v2sf);
	v10 =	vsel vm13, s13, v10;
	s13 =	smul.u32 $0x10624DD3, s25  }
0x1c3: {  	v11 =	vsel vm1, s22, v11;
	v12 =	vsel vm0, s20, v12;
	s2 =	smulhi.u32 $0x10624DD3, s17;
	s22 =	sshra.s32 s17, $0x1F;
	s20 =	sld [smem:$0x7E9]  }
0x1c4: {  	s0 =	sld [smem:$0x7EE];
	v9 =	vsel vm6, s24, v9;
	s5 =	sadd.s32 s10, s4;
	s24 =	smul.u32 $0x10624DD3, s22  }
0x1c5: {  	s10 =	sshrl.u32 s16, $0x1F;
	s25 =	sld [smem:$0x7EA];
	v10 =	vsel vm5, s19, v10;
	s4 =	sadd.s32 s13, s18  }
0x1c6: {  	v10 =	vsel vm14, s1, v10;
	s13 =	sld [smem:$0x7EC];
	s23 =	sshrl.u32 s20, $0x1F;
	s1 =	sadd.s32 s24, s2  }
0x1c7: {  	v14 =	vmov s10;
	v15 =	vmov s23;
	s22 =	sshra.s32 s1, $0x1F;
	s23 =	sld [smem:$0x7EF]  }
0x1c8: {  	s6 =	sshra.s32 s6, $0x7;
	v13 =	vsel vm1, s3, v13;
	s14 =	sshrl.u32 s0, $0x1F;
	v14 =	vnsel vm3, $0x0, v14;
	v16 =	vmov s22;
	s22 =	sld [smem:$0x7F1]  }
0x1c9: {  	s19 =	sld [smem:$0x7E8];
	v12 =	vsel vm1, s6, v12;
	v14 =	vsel vm0, s14, v14;
	s14 =	sshra.s32 s16, $0x1F;
	v10 =	vsel vm6, s8, v10  }
0x1ca: {  	s18 =	sshra.s32 s12, $0x1F;
	v12 =	vsel vm2, s25, v12;
	s25 =	sshra.s32 s16, $0x7;
	v10 =	vsel vm15, s9, v10;
	v13 =	vsel vm2, s13, v13;
	s24 =	sshrl.u32 s23, $0x1F  }
0x1cb: {  	v10 =	vsel vm7, s7, v10;
	s7 =	smul.u32 $0x10624DD3, s18;
	s18 =	sld [smem:$0x7F0];
	v16 =	vsel vm3, s25, v16;
	v14 =	vsel vm1, s24, v14;
	s13 =	sshrl.u32 s22, $0x1F  }
0x1cc: {  	s16 =	sshrl.u32 s5, $0x1F;
	s17 =	sshrl.u32 s19, $0x1F;
	v16 =	vsel vm9, s14, v16;
	s14 =	sld [smem:$0x7F2];
	v14 =	vsel vm2, s13, v14  }
0x1cd: {  	v9 =	vsel vm7, s29, v9;
	s29 =	sshrl.u32 s11, $0x1F;
	v15 =	vsel vm0, s17, v15;
	v14 =	vsel vm4, s16, v14;
	s16 =	sld [smem:$0x7F3]  }
0x1ce: {  	v15 =	vsel vm1, s29, v15;
	s29 =	sshrl.u32 s18, $0x1F  }
0x1cf: {  	v17 =	vmov s29;
	s25 =	sshrl.u32 s14, $0x1F  }
0x1d0: {  	s6 =	smulhi.u32 $0x10624DD3, s12;
	v17 =	vsel vm0, s25, v17;
	s13 =	sshrl.u32 s16, $0x1F  }
0x1d1: {  	s24 =	sshra.s32 s0, $0x7;
	v17 =	vsel vm1, s13, v17;
	s13 =	sld [smem:$0x7F4]  }
0x1d2: {  	s3 =	sadd.s32 s7, s6;
	s0 =	sshra.s32 s0, $0x1F;
	v16 =	vsel vm0, s24, v16;
	s29 =	sshrl.u32 s4, $0x1F  }
0x1d3: {  	v11 =	vsel vm2, s31, v11;
	s24 =	sshrl.u32 s3, $0x1F;
	v16 =	vsel vm10, s0, v16;
	v14 =	vsel vm5, s29, v14;
	s25 =	sshra.s32 s23, $0x7  }
0x1d4: {  	v8 =	vcombine.low v11, v50;
	s10 =	sld [smem:$0x7ED];
	v14 =	vsel vm6, s24, v14;
	v16 =	vsel vm1, s25, v16;
	s24 =	sshra.s32 s23, $0x1F;
	s29 =	sshrl.u32 s13, $0x1F  }
0x1d5: {  	v9 =	vperm.xlane v9, v1;
	v16 =	vsel vm11, s24, v16;
	v17 =	vsel vm2, s29, v17;
	s29 =	sshra.s32 s18, $0x7;
	s18 =	sshra.s32 s22, $0x7  }
0x1d6: {  	v8 =	vperm.xlane v8, v0;
	v54 =	vcombine.low v13, v12;
	s23 =	sshra.s32 s22, $0x1F;
	v16 =	vsel vm2, s18, v16  }
0x1d7: {  	s8 =	sshrl.u32 s10, $0x1F;
	v10 =	vperm.xlane v10, v1;
	s25 =	sshra.s32 s20, $0x7;
	v19 =	vmov s29;
	s29 =	sshra.s32 s5, $0x7;
	v16 =	vsel vm12, s23, v16  }
0x1d8: {  	s2 =	sshra.s32 s10, $0x7;
	s19 =	sshra.s32 s19, $0x7;
	v15 =	vsel vm2, s8, v15;
	v18 =	vmov s25;
	s5 =	sshra.s32 s5, $0x1F;
	v16 =	vsel vm4, s29, v16  }
0x1d9: {  	v11 =	vperm.xlane v54, v0;
	s20 =	sshra.s32 s14, $0x7;
	s24 =	sshra.s32 s11, $0x7;
	s11 =	sshra.s32 s4, $0x7;
	v18 =	vsel vm0, s19, v18;
	v16 =	vsel vm13, s5, v16  }
0x1da: {  	s25 =	sshra.s32 s16, $0x7;
	v18 =	vsel vm1, s24, v18;
	s10 =	sshra.s32 s13, $0x7;
	s13 =	sshra.s32 s4, $0x1F;
	v19 =	vsel vm0, s20, v19;
	v16 =	vsel vm5, s11, v16  }
0x1db: {  	s14 =	sshra.s32 s3, $0x7;
	v18 =	vsel vm2, s2, v18;
	v19 =	vsel vm1, s25, v19;
	v57 =	vsel vm14, s13, v16  }
0x1dc: {  	s6 =	sshrl.u32 s1, $0x1F;
	s16 =	sshra.s32 s3, $0x1F;
	v55 =	vcombine.low v17, v15;
	v19 =	vsel vm2, s10, v19;
	v15 =	vsel vm6, s14, v57  }
0x1dd: {  	v14 =	vsel vm7, s6, v14;
	s18 =	sshra.s32 s1, $0x7;
	v56 =	vcombine.low v19, v18;
	v15 =	vsel vm15, s16, v15  }
0x1de: {  	v14 =	vperm.xlane v14, v1;
	v12 =	vperm.xlane v55, v0;
	v15 =	vsel vm7, s18, v15  }
0x1df: {  	v13 =	vperm.xlane v56, v0;
	v15 =	vperm.xlane v15, v1  }
0x1e0: {  	s31 =	rddreg [dreg:$0x1a];
	v8 =	vsel vm8, v9, v8  }
0x1e1: {  	s12 =	rddreg [dreg:$0x14];
	v58 =	vsel vm8, v10, v11;
	v59 =	vsel vm8, v14, v12;
	v60 =	vsel vm8, v15, v13  }
0x1e2: {  	s9 =	rddreg [dreg:$0x10];
	v8 =	vadd.s32 v8, v58;
	v61 =	vadd.s32 v59, v60  }
0x1e3: {  	s17 =	rddreg [dreg:$0x5];
	v8 =	vmul.u32 $0x7D0, v8;
	v9 =	vmul.u32 $0x7D0, v61  }
0x1e4: {  	s8 =	rddreg [dreg:$0x1e]  }
0x1e5: {  	s7 =	rddreg [dreg:$0x17];
	v6 =	vsub.s32 v6, v8;
	v7 =	vsub.s32 v7, v9  }
0x1e6: {  	s6 =	rddreg [dreg:$0x1c];
	vm9 =	vlt.s32 v6, $0x0;
	vm10 =	vlt.s32 v7, $0x0  }
0x1e7: {  	s3 =	rddreg [dreg:$0x6];
	v62 =	vsel vm9, v3, v2;
	v63 =	vsel vm10, v5, v4  }
0x1e8: {  	s19 =	rddreg [dreg:$0x2];
	v6 =	vadd.s32 v6, v62;
	v7 =	vadd.s32 v7, v63  }
0x1e9: {  	s30 =	simm.s32 $0x14420;
	s24 =	simm.s32 $0x7;
	s2 =	rddreg [dreg:$0xe];
	[tilespmem:$0x143A0] =	vst v6;
	v6 =	vmin.u32 v7, $0x946F  }
0x1ea: {  	s4 =	rddreg [dreg:$0x18];
	s22 =	simm.s32 $0x143A0;
	s20 =	simm.s32 $0x20;
	[tilespmem:$0x143B0] =	vst v6  }
0x1eb: {  	[tilespmem:s30], [sflag:$0x7] =	stream.indirect.gather [hbm4b:s19+s20], $0x80, s22, s20, $0xb8;
	[tilespmem:$0x15420] =	vst v63  }
0x1ec: {  	s1 =	rddreg [dreg:$0x19];
	_ =	swait.ge [sflag:s24], $0x1000  }
0x1ed: {  	s29 =	simm.s32 $0xA;
	[sflag:s24] =	ssyncset.done $0x0  }
.Ltmp3:
0x1ee: {  	s25 =	rddreg [dreg:$0x1b];
	[sflag:s24] =	ssyncadd.s32 $0xFFFFF000;
	(pc) =	sbr.rel .LBB2_3-.Ltmp3, $4  }
0x1ef: {  	[hbm4b:s25+s21] =	stream.linear.scatter [tilespmem:s30], [sflag:$0xA], $0x1000, $0x38;
	[tilespmem:$0x15420] =	vst v63  }
0x1f0: {  	s0 =	rddreg [dreg:$0x1d];
	_ =	swait.ge [sflag:s29], $0x1000  }
0x1f1: {  	[sflag:s29] =	ssyncset.done $0x0  }
0x1f2: {  	s5 =	simm.s32 $0x10200;
	s30 =	simm.s32 $0x10000;
	[sflag:s29] =	ssyncadd.s32 $0xFFFFF000  }
.LBB2_4:
0x1f3: {  	_ =	sfence.sel $0x180000  }
0x1f4: {  	[bflag:$0x0] =	sbarrier.arrive $0xFFFF  }
0x1f5: {  	_ =	strace $0x90000047  }
0x1f6: {  	[bflag:$0x2] =	sbarrier.arrive $0xFFFF  }
0x1f7: {  	s0 =	rddreg [dreg:$0x7]  }
0x1f8: {  	s0 =	sadd.s32 @!p0 $0x100000, s0  }
0x1f9: {  	[sflag:s0] =	ssyncadd.tile.s32 @!p0 $0x1;
	_ =	shalt  }
.Lfunc_end2:
_tile_overlayer_lowered:
.L_overlay_start_2:
0x1fa: {  	(tag) =	ssettag $0x2  }
0x1fb: {  	s0 =	rddreg [dreg:$0x0];
	s2 =	stileid.u32  }
0x1fc: {  	s1 =	rddreg [dreg:$0x1];
	p0 =	sne.s32 s2, $0x0  }
0x1fd: {  	s3 =	rddreg [dreg:$0x2];
	[bflag:$0x3] =	sbarrier.arrive $0xFFFF;
	s2 =	simm.s32 @!p0 $0x1C0A  }
0x1fe: {  	[timem:s3], [sflag:s2] =	dma.local @!p0 [hbm:s0], s1  }
0x1ff: {  	s0 =	simm.s32 @!p0 $0xA  }
0x200: {  	_ =	swait.ge @!p0 [sflag:s0], s1  }
0x201: {  	s1 =	ssub.s32 @!p0 $0x0, s1;
	[sflag:s0] =	ssyncset.done @!p0 $0x0  }
0x202: {  	[sflag:s0] =	ssyncadd.s32 @!p0 s1  }
0x203: {  	[bflag:$0x3] =	sbarrier.arrive $0xFFFF  }
0x204: {  	_ =	shalt  }

</sc_bundles>
